<compile_context>
chip_gen: v7x
topology: tpu7x:2x2x1
jax: 0.10.2.dev20260603
libtpu: 0.0.44.dev20260713+nightly
codegen_flags: <defaults>
</compile_context>

<pallas_src>
import functools

import jax
import jax.numpy as jnp
from jax import lax
from jax.experimental import pallas as pl
from jax.experimental.pallas import tpu as pltpu
from jax.experimental.pallas import tpu_sc as plsc

_D = 256
_K = 1024
_L = 96
_B = 64
_B_SC = 16
_B_BLK = 16
_N = _B_BLK * _L
_SCALE = 1.25 / (_B * _L * _D)

_NW = 32
_ROWS_SC = _B_SC * _L
_BPW = _ROWS_SC // _NW


def _dist_argmin(x_ref, cb, c2_ref):
    xcat = jnp.concatenate([x_ref[b][:, :_L] for b in range(_B_BLK)], axis=1)
    ip = jnp.dot(cb, xcat, preferred_element_type=jnp.float32)
    dist = c2_ref[:, :1] - ip
    idx = jnp.argmin(dist, axis=0)
    x2 = jnp.sum(xcat * xcat, axis=0, keepdims=True)
    mind = jnp.min(dist, axis=0, keepdims=True)
    part = jnp.sum(x2 + 2.0 * mind)
    return dist, idx, part


def _prep_c2(i, cb, c2_ref):
    @pl.when(i == 0)
    def _c2():
        c2 = jnp.sum(cb * cb, axis=1, keepdims=True)
        c2_ref[...] = 0.5 * jnp.broadcast_to(c2, (_K, 128))


def _acc_loss(i, last, part, loss_ref):
    @pl.when(i == 0)
    def _init():
        loss_ref[0, 0] = part

    @pl.when(i > 0)
    def _acc():
        loss_ref[0, 0] += part


def _tc_idx_body(x_ref, cb_ref, idx_ref, loss_ref, c2_ref):
    i = pl.program_id(0)
    cb = cb_ref[...]
    _prep_c2(i, cb, c2_ref)
    _, idx, part = _dist_argmin(x_ref, cb, c2_ref)
    idx_ref[0, 0] = idx
    _acc_loss(i, _B_SC // _B_BLK - 1, part, loss_ref)


def _tc_full_body(x_ref, cb_ref, q_ref, loss_ref, c2_ref, cb16_ref):
    i = pl.program_id(0)
    cb = cb_ref[...]
    _prep_c2(i, cb, c2_ref)

    @pl.when(i == 0)
    def _cb16():
        cb16_ref[...] = cb.astype(jnp.bfloat16)

    _, idx, part = _dist_argmin(x_ref, cb, c2_ref)
    onehot = (jax.lax.broadcasted_iota(jnp.int32, (_K, _N), 0)
              == idx[None, :]).astype(jnp.bfloat16)
    q = jax.lax.dot_general(onehot, cb16_ref[...], (((0,), (0,)), ((), ())),
                            preferred_element_type=jnp.float32)
    for b in range(_B_BLK):
        q_ref[b] = q[b * _L:(b + 1) * _L, :]
    _acc_loss(i, (_B - _B_SC) // _B_BLK - 1, part, loss_ref)


_sc_mesh = plsc.VectorSubcoreMesh(core_axis_name="c", subcore_axis_name="s")


@functools.partial(
    pl.kernel,
    mesh=_sc_mesh,
    out_type=jax.ShapeDtypeStruct((_ROWS_SC, _D), jnp.float32),
    scratch_types=[
        pltpu.VMEM((_BPW,), jnp.int32),
        pltpu.VMEM((_BPW, _D), jnp.float32),
        pltpu.SemaphoreType.DMA,
        pltpu.SemaphoreType.DMA,
    ],
)
def _sc_gather(cb_hbm, idx_hbm, out_hbm, idx_v, rows_v, sg, sw):
    wid = lax.axis_index("s") * 2 + lax.axis_index("c")
    base = wid * _BPW
    pltpu.sync_copy(idx_hbm.at[pl.ds(base, _BPW)], idx_v)
    pltpu.async_copy(cb_hbm.at[idx_v], rows_v, sg).wait()
    pltpu.async_copy(rows_v, out_hbm.at[pl.ds(base, _BPW)], sw).wait()


def kernel(x, codebook):
    idx3, loss_a = pl.pallas_call(
        _tc_idx_body,
        grid=(_B_SC // _B_BLK,),
        in_specs=[
            pl.BlockSpec((_B_BLK, _D, 128), lambda i: (i, 0, 0)),
            pl.BlockSpec((_K, _D), lambda i: (0, 0)),
        ],
        out_specs=[
            pl.BlockSpec((1, 1, _N), lambda i: (i, 0, 0)),
            pl.BlockSpec(memory_space=pltpu.SMEM),
        ],
        out_shape=[
            jax.ShapeDtypeStruct((_B_SC // _B_BLK, 1, _N), jnp.int32),
            jax.ShapeDtypeStruct((1, 1), jnp.float32),
        ],
        scratch_shapes=[pltpu.VMEM((_K, 128), jnp.float32)],
    )(x, codebook)
    qa = _sc_gather(codebook, idx3.reshape(_ROWS_SC))
    qb, loss_b = pl.pallas_call(
        _tc_full_body,
        grid=((_B - _B_SC) // _B_BLK,),
        in_specs=[
            pl.BlockSpec((_B_BLK, _D, 128),
                         lambda i: (i + _B_SC // _B_BLK, 0, 0)),
            pl.BlockSpec((_K, _D), lambda i: (0, 0)),
        ],
        out_specs=[
            pl.BlockSpec((_B_BLK, _L, _D), lambda i: (i, 0, 0)),
            pl.BlockSpec(memory_space=pltpu.SMEM),
        ],
        out_shape=[
            jax.ShapeDtypeStruct((_B - _B_SC, _L, _D), jnp.float32),
            jax.ShapeDtypeStruct((1, 1), jnp.float32),
        ],
        scratch_shapes=[pltpu.VMEM((_K, 128), jnp.float32),
                        pltpu.VMEM((_K, _D), jnp.bfloat16)],
    )(x, codebook)
    q = jnp.concatenate([qa.reshape(_B_SC, _L, _D), qb], axis=0)
    loss = (loss_a[0, 0] + loss_b[0, 0]) * _SCALE
    return jnp.transpose(q, (0, 2, 1)), loss

# --- scband reference (transcript-rebuilt; emitter-appended) ---
"""Pipeline reference for scband-vector-quantizer-1494648619096 (READ-ONLY COPY).

The authoritative reference and input builder live on the scoring server;
editing this copy changes nothing except your own understanding.
"""

import jax, jax.numpy as jnp
import numpy as np

EMBEDDING_DIM = 256
NUM_EMBEDDINGS = 1024
BETA = 0.25


def setup_inputs(seed: int = 0) -> dict:
    key = jax.random.key(seed)
    k1, k2 = jax.random.split(key)
    x = jax.random.normal(k1, (64, 256, 256), dtype=jnp.float32)
    codebook = jax.random.normal(k2, (NUM_EMBEDDINGS, EMBEDDING_DIM), dtype=jnp.float32)
    return {"x": x, "codebook": codebook}


def reference(x, codebook):
    # x: [B, D, L] -> permute(0, 2, 1) -> [B, L, D]
    xt = jnp.transpose(x, (0, 2, 1))
    # slice to first 96 positions (as in the torch module)
    xt = xt[:, :96, :]
    flat_x = xt.reshape(-1, EMBEDDING_DIM)
    # get_code_indices: squared L2 distances via expansion
    distances = (
        jnp.sum(flat_x ** 2, axis=1, keepdims=True)
        + jnp.sum(codebook ** 2, axis=1)
        - 2.0 * jnp.matmul(flat_x, codebook.T)
    )
    encoding_indices = jnp.argmin(distances, axis=1)
    # quantize: embedding gather
    quantized = jnp.take(codebook, encoding_indices, axis=0).reshape(xt.shape)
    # training path losses
    q_latent_loss = jnp.mean((quantized - jax.lax.stop_gradient(xt)) ** 2)
    e_latent_loss = jnp.mean((xt - jax.lax.stop_gradient(quantized)) ** 2)
    loss = q_latent_loss + BETA * e_latent_loss
    # straight-through estimator
    quantized = xt + jax.lax.stop_gradient(quantized - xt)
    quantized = jnp.transpose(quantized, (0, 2, 1))
    return quantized, loss

if __name__ == "__main__":
    import jax
    _d = setup_inputs()
    print(jax.jit(kernel)(*tuple(_d.values())))

</pallas_src>

<mosaic_0001>
#map = affine_map<(d0, d1) -> (0, 0)>
#map1 = affine_map<(d0, d1) -> (0)>
module attributes {stable_mosaic.version = 14 : i64} {
  func.func @_sc_gather(%arg0: i32, %arg1: i32, %arg2: memref<1024x256xf32, #tpu.memory_space<hbm>>, %arg3: memref<1536xi32, #tpu.memory_space<hbm>>, %arg4: memref<1536x256xf32, #tpu.memory_space<hbm>>, %arg5: memref<48xi32, #tpu.memory_space<vmem>>, %arg6: memref<48x256xf32, #tpu.memory_space<vmem>>, %arg7: memref<!tpu.dma_semaphore, #tpu.memory_space<semaphore_mem>>, %arg8: memref<!tpu.dma_semaphore, #tpu.memory_space<semaphore_mem>>) attributes {dimension_semantics = [#tpu.dimension_semantics<core_parallel>, #tpu.dimension_semantics<subcore_parallel>], iteration_bounds = array<i64: 2, 16>, scalar_prefetch = 0 : i64, scratch_operands = 4 : i64, tpu.core_type = #tpu.core_type<sc_vector_subcore>, window_params = [{transform_indices = #map}, {transform_indices = #map1}, {transform_indices = #map}]} {
    %mul3A = arith.constant 2 : i32
    %mul3A_0 = arith.muli %arg1, %mul3A : i32
    %add3A = arith.addi %mul3A_0, %arg0 : i32
    %mul3A_1 = arith.constant 48 : i32
    %mul3A_2 = arith.muli %add3A, %mul3A_1 : i32
    "tpu.region"() ({
      %run_scoped3A = tpu.sem_alloc : memref<!tpu.dma_semaphore, #tpu.memory_space<semaphore_mem>>
      %dma_start3A_15 = tpu.memref_slice %arg3[%mul3A_2] : memref<1536xi32, #tpu.memory_space<hbm>> -> memref<48xi32, #tpu.memory_space<hbm>>
      %dma_start3A_16 = tpu.memref_slice %arg3[%mul3A_2] : memref<1536xi32, #tpu.memory_space<hbm>> -> memref<48xi32, #tpu.memory_space<hbm>>
      tpu.enqueue_dma source(%dma_start3A_16 : memref<48xi32, #tpu.memory_space<hbm>>) target(%arg5 : memref<48xi32, #tpu.memory_space<vmem>>) target_semaphore(%run_scoped3A : memref<!tpu.dma_semaphore, #tpu.memory_space<semaphore_mem>>)
      %dma_wait3A_17 = tpu.memref_slice %arg3[%mul3A_2] : memref<1536xi32, #tpu.memory_space<hbm>> -> memref<48xi32, #tpu.memory_space<hbm>>
      %dma_wait3A_18 = tpu.memref_slice %arg3[%mul3A_2] : memref<1536xi32, #tpu.memory_space<hbm>> -> memref<48xi32, #tpu.memory_space<hbm>>
      tpu.wait_dma2 semaphore(%run_scoped3A : memref<!tpu.dma_semaphore, #tpu.memory_space<semaphore_mem>>) src(%dma_wait3A_18 : memref<48xi32, #tpu.memory_space<hbm>>) dst(%arg5 : memref<48xi32, #tpu.memory_space<vmem>>)
      tpu.yield
    }) : () -> ()
    %dma_start3A = arith.constant 0 : i32
    %dma_start3A_3 = arith.constant 0 : i32
    %dma_start3A_4 = tpu.memref_slice %arg2[%dma_start3A, %dma_start3A_3] : memref<1024x256xf32, #tpu.memory_space<hbm>> -> memref<1024x256xf32, #tpu.memory_space<hbm>>
    tpu.enqueue_indirect_dma source(%dma_start3A_4 : memref<1024x256xf32, #tpu.memory_space<hbm>>) target(%arg6 : memref<48x256xf32, #tpu.memory_space<vmem>>) offsets(%arg5 : memref<48xi32, #tpu.memory_space<vmem>>) semaphore(%arg7 : memref<!tpu.dma_semaphore, #tpu.memory_space<semaphore_mem>>)
    %dma_wait3A = arith.constant 0 : i32
    %dma_wait3A_5 = arith.constant 0 : i32
    %dma_wait3A_6 = tpu.memref_slice %arg2[%dma_wait3A, %dma_wait3A_5] : memref<1024x256xf32, #tpu.memory_space<hbm>> -> memref<1024x256xf32, #tpu.memory_space<hbm>>
    tpu.wait_indirect_dma semaphore(%arg7 : memref<!tpu.dma_semaphore, #tpu.memory_space<semaphore_mem>>) src(%dma_wait3A_6 : memref<1024x256xf32, #tpu.memory_space<hbm>>) dst(%arg6 : memref<48x256xf32, #tpu.memory_space<vmem>>)
    %dma_start3A_7 = arith.constant 0 : i32
    %dma_start3A_8 = tpu.memref_slice %arg4[%mul3A_2, %dma_start3A_7] : memref<1536x256xf32, #tpu.memory_space<hbm>> -> memref<48x256xf32, #tpu.memory_space<hbm>>
    %dma_start3A_9 = arith.constant 0 : i32
    %dma_start3A_10 = tpu.memref_slice %arg4[%mul3A_2, %dma_start3A_9] : memref<1536x256xf32, #tpu.memory_space<hbm>> -> memref<48x256xf32, #tpu.memory_space<hbm>>
    tpu.enqueue_dma source(%arg6 : memref<48x256xf32, #tpu.memory_space<vmem>>) target(%dma_start3A_10 : memref<48x256xf32, #tpu.memory_space<hbm>>) target_semaphore(%arg8 : memref<!tpu.dma_semaphore, #tpu.memory_space<semaphore_mem>>)
    %dma_wait3A_11 = arith.constant 0 : i32
    %dma_wait3A_12 = tpu.memref_slice %arg4[%mul3A_2, %dma_wait3A_11] : memref<1536x256xf32, #tpu.memory_space<hbm>> -> memref<48x256xf32, #tpu.memory_space<hbm>>
    %dma_wait3A_13 = arith.constant 0 : i32
    %dma_wait3A_14 = tpu.memref_slice %arg4[%mul3A_2, %dma_wait3A_13] : memref<1536x256xf32, #tpu.memory_space<hbm>> -> memref<48x256xf32, #tpu.memory_space<hbm>>
    tpu.wait_dma2 semaphore(%arg8 : memref<!tpu.dma_semaphore, #tpu.memory_space<semaphore_mem>>) src(%arg6 : memref<48x256xf32, #tpu.memory_space<vmem>>) dst(%dma_wait3A_14 : memref<48x256xf32, #tpu.memory_space<hbm>>)
    return
  }
}

module attributes {stable_mosaic.version = 14 : i64} {
  func.func @_tc_idx_body(%arg0: i32, %arg1: memref<16x256x128xf32, #tpu.memory_space<vmem>>, %arg2: memref<1024x256xf32, #tpu.memory_space<vmem>>, %arg3: memref<1x1x1536xi32, #tpu.memory_space<vmem>>, %arg4: memref<1x1xf32, #tpu.memory_space<smem>>, %arg5: memref<1024x128xf32, #tpu.memory_space<vmem>>) attributes {dimension_semantics = [#tpu.dimension_semantics<arbitrary>], iteration_bounds = array<i64: 1>, scalar_prefetch = 0 : i64, scratch_operands = 1 : i64, tpu.core_type = #tpu.core_type<tc>, window_params = [{transform_indices = @transform_0, window_bounds = array<i64: 16, 256, 128>}, {pipeline_mode = #tpu.pipeline_mode<synchronous>, transform_indices = @transform_1, window_bounds = array<i64: 1024, 256>}, {transform_indices = @transform_2, window_bounds = array<i64: 1, 1, 1536>}, {transform_indices = @transform_3, window_bounds = array<i64: 1, 1>}]} {
    %get3A = arith.constant 0 : index
    %get3A_0 = arith.constant 0 : index
    %get3A_1 = vector.load %arg2[%get3A, %get3A_0] : memref<1024x256xf32, #tpu.memory_space<vmem>>, vector<1024x256xf32>
    %eq3A = arith.constant 0 : i32
    %eq3A_2 = arith.cmpi eq, %arg0, %eq3A : i32
    %convert_element_type3A = arith.extui %eq3A_2 : i1 to i32
    %cond3A = arith.constant 0 : i32
    %cond3A_3 = arith.cmpi ne, %convert_element_type3A, %cond3A : i32
    scf.if %cond3A_3 {
      %mul3A_129 = arith.mulf %get3A_1, %get3A_1 : vector<1024x256xf32>
      %reduce_sum3A_130 = arith.constant dense<0.000000e+00> : vector<1024xf32>
      %reduce_sum3A_131 = vector.multi_reduction <add>, %mul3A_129, %reduce_sum3A_130 [1] : vector<1024x256xf32> to vector<1024xf32>
      %broadcast_in_dim3A_132 = vector.shape_cast %reduce_sum3A_131 : vector<1024xf32> to vector<1024x1xf32>
      %broadcast_in_dim3A_133 = vector.shape_cast %broadcast_in_dim3A_132 : vector<1024x1xf32> to vector<1024x1xf32>
      %broadcast_in_dim3A_134 = vector.broadcast %broadcast_in_dim3A_133 : vector<1024x1xf32> to vector<1024x128xf32>
      %mul3A_135 = arith.constant 5.000000e-01 : f32
      %mul3A_136 = vector.broadcast %mul3A_135 : f32 to vector<1024x128xf32>
      %mul3A_137 = arith.mulf %mul3A_136, %broadcast_in_dim3A_134 : vector<1024x128xf32>
      %swap3A_138 = arith.constant 0 : index
      %swap3A_139 = arith.constant 0 : index
      %swap3A_140 = vector.load %arg5[%swap3A_138, %swap3A_139] : memref<1024x128xf32, #tpu.memory_space<vmem>>, vector<1024x128xf32>
      tpu.vector_store %arg5[%swap3A_138, %swap3A_139], %mul3A_137 {strides = array<i32>} : memref<1024x128xf32, #tpu.memory_space<vmem>>, vector<1024x128xf32>,
    } else {
    }
    %get3A_4 = arith.constant 0 : index
    %get3A_5 = arith.constant 0 : index
    %get3A_6 = arith.constant 0 : index
    %get3A_7 = vector.load %arg1[%get3A_4, %get3A_5, %get3A_6] : memref<16x256x128xf32, #tpu.memory_space<vmem>>, vector<1x256x128xf32>
    %get3A_8 = vector.shape_cast %get3A_7 : vector<1x256x128xf32> to vector<256x128xf32>
    %slice3A = vector.extract_strided_slice %get3A_8 {offsets = [0, 0], sizes = [256, 96], strides = [1, 1]} : vector<256x128xf32> to vector<256x96xf32>
    %get3A_9 = arith.constant 1 : index
    %get3A_10 = arith.constant 0 : index
    %get3A_11 = arith.constant 0 : index
    %get3A_12 = vector.load %arg1[%get3A_9, %get3A_10, %get3A_11] : memref<16x256x128xf32, #tpu.memory_space<vmem>>, vector<1x256x128xf32>
    %get3A_13 = vector.shape_cast %get3A_12 : vector<1x256x128xf32> to vector<256x128xf32>
    %slice3A_14 = vector.extract_strided_slice %get3A_13 {offsets = [0, 0], sizes = [256, 96], strides = [1, 1]} : vector<256x128xf32> to vector<256x96xf32>
    %get3A_15 = arith.constant 2 : index
    %get3A_16 = arith.constant 0 : index
    %get3A_17 = arith.constant 0 : index
    %get3A_18 = vector.load %arg1[%get3A_15, %get3A_16, %get3A_17] : memref<16x256x128xf32, #tpu.memory_space<vmem>>, vector<1x256x128xf32>
    %get3A_19 = vector.shape_cast %get3A_18 : vector<1x256x128xf32> to vector<256x128xf32>
    %slice3A_20 = vector.extract_strided_slice %get3A_19 {offsets = [0, 0], sizes = [256, 96], strides = [1, 1]} : vector<256x128xf32> to vector<256x96xf32>
    %get3A_21 = arith.constant 3 : index
    %get3A_22 = arith.constant 0 : index
    %get3A_23 = arith.constant 0 : index
    %get3A_24 = vector.load %arg1[%get3A_21, %get3A_22, %get3A_23] : memref<16x256x128xf32, #tpu.memory_space<vmem>>, vector<1x256x128xf32>
    %get3A_25 = vector.shape_cast %get3A_24 : vector<1x256x128xf32> to vector<256x128xf32>
    %slice3A_26 = vector.extract_strided_slice %get3A_25 {offsets = [0, 0], sizes = [256, 96], strides = [1, 1]} : vector<256x128xf32> to vector<256x96xf32>
    %get3A_27 = arith.constant 4 : index
    %get3A_28 = arith.constant 0 : index
    %get3A_29 = arith.constant 0 : index
    %get3A_30 = vector.load %arg1[%get3A_27, %get3A_28, %get3A_29] : memref<16x256x128xf32, #tpu.memory_space<vmem>>, vector<1x256x128xf32>
    %get3A_31 = vector.shape_cast %get3A_30 : vector<1x256x128xf32> to vector<256x128xf32>
    %slice3A_32 = vector.extract_strided_slice %get3A_31 {offsets = [0, 0], sizes = [256, 96], strides = [1, 1]} : vector<256x128xf32> to vector<256x96xf32>
    %get3A_33 = arith.constant 5 : index
    %get3A_34 = arith.constant 0 : index
    %get3A_35 = arith.constant 0 : index
    %get3A_36 = vector.load %arg1[%get3A_33, %get3A_34, %get3A_35] : memref<16x256x128xf32, #tpu.memory_space<vmem>>, vector<1x256x128xf32>
    %get3A_37 = vector.shape_cast %get3A_36 : vector<1x256x128xf32> to vector<256x128xf32>
    %slice3A_38 = vector.extract_strided_slice %get3A_37 {offsets = [0, 0], sizes = [256, 96], strides = [1, 1]} : vector<256x128xf32> to vector<256x96xf32>
    %get3A_39 = arith.constant 6 : index
    %get3A_40 = arith.constant 0 : index
    %get3A_41 = arith.constant 0 : index
    %get3A_42 = vector.load %arg1[%get3A_39, %get3A_40, %get3A_41] : memref<16x256x128xf32, #tpu.memory_space<vmem>>, vector<1x256x128xf32>
    %get3A_43 = vector.shape_cast %get3A_42 : vector<1x256x128xf32> to vector<256x128xf32>
    %slice3A_44 = vector.extract_strided_slice %get3A_43 {offsets = [0, 0], sizes = [256, 96], strides = [1, 1]} : vector<256x128xf32> to vector<256x96xf32>
    %get3A_45 = arith.constant 7 : index
    %get3A_46 = arith.constant 0 : index
    %get3A_47 = arith.constant 0 : index
    %get3A_48 = vector.load %arg1[%get3A_45, %get3A_46, %get3A_47] : memref<16x256x128xf32, #tpu.memory_space<vmem>>, vector<1x256x128xf32>
    %get3A_49 = vector.shape_cast %get3A_48 : vector<1x256x128xf32> to vector<256x128xf32>
    %slice3A_50 = vector.extract_strided_slice %get3A_49 {offsets = [0, 0], sizes = [256, 96], strides = [1, 1]} : vector<256x128xf32> to vector<256x96xf32>
    %get3A_51 = arith.constant 8 : index
    %get3A_52 = arith.constant 0 : index
    %get3A_53 = arith.constant 0 : index
    %get3A_54 = vector.load %arg1[%get3A_51, %get3A_52, %get3A_53] : memref<16x256x128xf32, #tpu.memory_space<vmem>>, vector<1x256x128xf32>
    %get3A_55 = vector.shape_cast %get3A_54 : vector<1x256x128xf32> to vector<256x128xf32>
    %slice3A_56 = vector.extract_strided_slice %get3A_55 {offsets = [0, 0], sizes = [256, 96], strides = [1, 1]} : vector<256x128xf32> to vector<256x96xf32>
    %get3A_57 = arith.constant 9 : index
    %get3A_58 = arith.constant 0 : index
    %get3A_59 = arith.constant 0 : index
    %get3A_60 = vector.load %arg1[%get3A_57, %get3A_58, %get3A_59] : memref<16x256x128xf32, #tpu.memory_space<vmem>>, vector<1x256x128xf32>
    %get3A_61 = vector.shape_cast %get3A_60 : vector<1x256x128xf32> to vector<256x128xf32>
    %slice3A_62 = vector.extract_strided_slice %get3A_61 {offsets = [0, 0], sizes = [256, 96], strides = [1, 1]} : vector<256x128xf32> to vector<256x96xf32>
    %get3A_63 = arith.constant 10 : index
    %get3A_64 = arith.constant 0 : index
    %get3A_65 = arith.constant 0 : index
    %get3A_66 = vector.load %arg1[%get3A_63, %get3A_64, %get3A_65] : memref<16x256x128xf32, #tpu.memory_space<vmem>>, vector<1x256x128xf32>
    %get3A_67 = vector.shape_cast %get3A_66 : vector<1x256x128xf32> to vector<256x128xf32>
    %slice3A_68 = vector.extract_strided_slice %get3A_67 {offsets = [0, 0], sizes = [256, 96], strides = [1, 1]} : vector<256x128xf32> to vector<256x96xf32>
    %get3A_69 = arith.constant 11 : index
    %get3A_70 = arith.constant 0 : index
    %get3A_71 = arith.constant 0 : index
    %get3A_72 = vector.load %arg1[%get3A_69, %get3A_70, %get3A_71] : memref<16x256x128xf32, #tpu.memory_space<vmem>>, vector<1x256x128xf32>
    %get3A_73 = vector.shape_cast %get3A_72 : vector<1x256x128xf32> to vector<256x128xf32>
    %slice3A_74 = vector.extract_strided_slice %get3A_73 {offsets = [0, 0], sizes = [256, 96], strides = [1, 1]} : vector<256x128xf32> to vector<256x96xf32>
    %get3A_75 = arith.constant 12 : index
    %get3A_76 = arith.constant 0 : index
    %get3A_77 = arith.constant 0 : index
    %get3A_78 = vector.load %arg1[%get3A_75, %get3A_76, %get3A_77] : memref<16x256x128xf32, #tpu.memory_space<vmem>>, vector<1x256x128xf32>
    %get3A_79 = vector.shape_cast %get3A_78 : vector<1x256x128xf32> to vector<256x128xf32>
    %slice3A_80 = vector.extract_strided_slice %get3A_79 {offsets = [0, 0], sizes = [256, 96], strides = [1, 1]} : vector<256x128xf32> to vector<256x96xf32>
    %get3A_81 = arith.constant 13 : index
    %get3A_82 = arith.constant 0 : index
    %get3A_83 = arith.constant 0 : index
    %get3A_84 = vector.load %arg1[%get3A_81, %get3A_82, %get3A_83] : memref<16x256x128xf32, #tpu.memory_space<vmem>>, vector<1x256x128xf32>
    %get3A_85 = vector.shape_cast %get3A_84 : vector<1x256x128xf32> to vector<256x128xf32>
    %slice3A_86 = vector.extract_strided_slice %get3A_85 {offsets = [0, 0], sizes = [256, 96], strides = [1, 1]} : vector<256x128xf32> to vector<256x96xf32>
    %get3A_87 = arith.constant 14 : index
    %get3A_88 = arith.constant 0 : index
    %get3A_89 = arith.constant 0 : index
    %get3A_90 = vector.load %arg1[%get3A_87, %get3A_88, %get3A_89] : memref<16x256x128xf32, #tpu.memory_space<vmem>>, vector<1x256x128xf32>
    %get3A_91 = vector.shape_cast %get3A_90 : vector<1x256x128xf32> to vector<256x128xf32>
    %slice3A_92 = vector.extract_strided_slice %get3A_91 {offsets = [0, 0], sizes = [256, 96], strides = [1, 1]} : vector<256x128xf32> to vector<256x96xf32>
    %get3A_93 = arith.constant 15 : index
    %get3A_94 = arith.constant 0 : index
    %get3A_95 = arith.constant 0 : index
    %get3A_96 = vector.load %arg1[%get3A_93, %get3A_94, %get3A_95] : memref<16x256x128xf32, #tpu.memory_space<vmem>>, vector<1x256x128xf32>
    %get3A_97 = vector.shape_cast %get3A_96 : vector<1x256x128xf32> to vector<256x128xf32>
    %slice3A_98 = vector.extract_strided_slice %get3A_97 {offsets = [0, 0], sizes = [256, 96], strides = [1, 1]} : vector<256x128xf32> to vector<256x96xf32>
    %concatenate3A = tpu.concatenate %slice3A, %slice3A_14, %slice3A_20, %slice3A_26, %slice3A_32, %slice3A_38, %slice3A_44, %slice3A_50, %slice3A_56, %slice3A_62, %slice3A_68, %slice3A_74, %slice3A_80, %slice3A_86, %slice3A_92, %slice3A_98 in 1 : vector<256x96xf32>, vector<256x96xf32>, vector<256x96xf32>, vector<256x96xf32>, vector<256x96xf32>, vector<256x96xf32>, vector<256x96xf32>, vector<256x96xf32>, vector<256x96xf32>, vector<256x96xf32>, vector<256x96xf32>, vector<256x96xf32>, vector<256x96xf32>, vector<256x96xf32>, vector<256x96xf32>, vector<256x96xf32> -> vector<256x1536xf32>
    %dot_general3A = arith.constant dense<0.000000e+00> : vector<1024x1536xf32>
    %dot_general3A_99 = tpu.matmul %get3A_1, %concatenate3A, %dot_general3A {dimension_numbers = #tpu.dot_dimension_numbers<[1], [0], [0], [1], [0, 0, 1, 1], [], []>, transpose_lhs_hint = false} : vector<1024x256xf32>, vector<256x1536xf32>, vector<1024x1536xf32> -> vector<1024x1536xf32>
    %get3A_100 = arith.constant 0 : index
    %get3A_101 = arith.constant 0 : index
    %get3A_102 = vector.load %arg5[%get3A_100, %get3A_101] : memref<1024x128xf32, #tpu.memory_space<vmem>>, vector<1024x1xf32>
    %sub3A = vector.broadcast %get3A_102 : vector<1024x1xf32> to vector<1024x1536xf32>
    %sub3A_103 = arith.subf %sub3A, %dot_general3A_99 : vector<1024x1536xf32>
    %argmin3A = tpu.reduce_index %sub3A_103 {axis = 0 : i32, kind = #tpu.reduction_kind<arg_min>} : vector<1024x1536xf32> -> vector<1536xi32>
    %mul3A = arith.mulf %concatenate3A, %concatenate3A : vector<256x1536xf32>
    %reduce_sum3A = arith.constant dense<0.000000e+00> : vector<1536xf32>
    %reduce_sum3A_104 = vector.multi_reduction <add>, %mul3A, %reduce_sum3A [0] : vector<256x1536xf32> to vector<1536xf32>
    %broadcast_in_dim3A = vector.shape_cast %reduce_sum3A_104 : vector<1536xf32> to vector<1x1536xf32>
    %reduce_min3A = arith.constant dense<0x7F800000> : vector<1536xf32>
    %reduce_min3A_105 = vector.multi_reduction <minimumf>, %sub3A_103, %reduce_min3A [0] : vector<1024x1536xf32> to vector<1536xf32>
    %broadcast_in_dim3A_106 = vector.shape_cast %reduce_min3A_105 : vector<1536xf32> to vector<1x1536xf32>
    %mul3A_107 = arith.constant 2.000000e+00 : f32
    %mul3A_108 = vector.broadcast %mul3A_107 : f32 to vector<1x1536xf32>
    %mul3A_109 = arith.mulf %mul3A_108, %broadcast_in_dim3A_106 : vector<1x1536xf32>
    %add3A = arith.addf %broadcast_in_dim3A, %mul3A_109 : vector<1x1536xf32>
    %reduce_sum3A_110 = vector.shape_cast %add3A : vector<1x1536xf32> to vector<1x1x1536xf32>
    %reduce_sum3A_111 = arith.constant dense<0.000000e+00> : vector<1xf32>
    %reduce_sum3A_112 = vector.multi_reduction <add>, %reduce_sum3A_110, %reduce_sum3A_111 [1, 2] : vector<1x1x1536xf32> to vector<1xf32>
    %reduce_sum3A_113 = vector.shape_cast %reduce_sum3A_112 : vector<1xf32> to vector<1x1x1xf32>
    %reduce_sum3A_114 = vector.extract %reduce_sum3A_113[0, 0, 0] : f32 from vector<1x1x1xf32>
    %swap3A = arith.constant 0 : index
    %swap3A_115 = arith.constant 0 : index
    %swap3A_116 = arith.constant 0 : index
    %swap3A_117 = vector.load %arg3[%swap3A, %swap3A_115, %swap3A_116] : memref<1x1x1536xi32, #tpu.memory_space<vmem>>, vector<1x1x1536xi32>
    %swap3A_118 = vector.shape_cast %swap3A_117 : vector<1x1x1536xi32> to vector<1536xi32>
    %swap3A_119 = vector.shape_cast %argmin3A : vector<1536xi32> to vector<1x1x1536xi32>
    tpu.vector_store %arg3[%swap3A, %swap3A_115, %swap3A_116], %swap3A_119 {strides = array<i32>} : memref<1x1x1536xi32, #tpu.memory_space<vmem>>, vector<1x1x1536xi32>,
    %eq3A_120 = arith.constant 0 : i32
    %eq3A_121 = arith.cmpi eq, %arg0, %eq3A_120 : i32
    %convert_element_type3A_122 = arith.extui %eq3A_121 : i1 to i32
    %cond3A_123 = arith.constant 0 : i32
    %cond3A_124 = arith.cmpi ne, %convert_element_type3A_122, %cond3A_123 : i32
    scf.if %cond3A_124 {
      %swap3A_129 = arith.constant 0 : index
      %swap3A_130 = arith.constant 0 : index
      %swap3A_131 = memref.load %arg4[%swap3A_129, %swap3A_130] : memref<1x1xf32, #tpu.memory_space<smem>>
      memref.store %reduce_sum3A_114, %arg4[%swap3A_129, %swap3A_130] : memref<1x1xf32, #tpu.memory_space<smem>>
    } else {
    }
    %gt3A = arith.constant 0 : i32
    %gt3A_125 = arith.cmpi sgt, %arg0, %gt3A : i32
    %convert_element_type3A_126 = arith.extui %gt3A_125 : i1 to i32
    %cond3A_127 = arith.constant 0 : i32
    %cond3A_128 = arith.cmpi ne, %convert_element_type3A_126, %cond3A_127 : i32
    scf.if %cond3A_128 {
      %get3A_129 = arith.constant 0 : index
      %get3A_130 = arith.constant 0 : index
      %get3A_131 = memref.load %arg4[%get3A_129, %get3A_130] : memref<1x1xf32, #tpu.memory_space<smem>>
      %add3A_132 = arith.addf %get3A_131, %reduce_sum3A_114 : f32
      %swap3A_133 = arith.constant 0 : index
      %swap3A_134 = arith.constant 0 : index
      %swap3A_135 = memref.load %arg4[%swap3A_133, %swap3A_134] : memref<1x1xf32, #tpu.memory_space<smem>>
      memref.store %add3A_132, %arg4[%swap3A_133, %swap3A_134] : memref<1x1xf32, #tpu.memory_space<smem>>
    } else {
    }
    return
  }
  func.func @transform_0(%arg0: i32) -> (i32, i32, i32) {
    %c0_i32 = arith.constant 0 : i32
    %c0_i32_0 = arith.constant 0 : i32
    %c0_i32_1 = arith.constant 0 : i32
    return %arg0, %c0_i32, %c0_i32_0 : i32, i32, i32
  }
  func.func @transform_1(%arg0: i32) -> (i32, i32) {
    %c0_i32 = arith.constant 0 : i32
    %c0_i32_0 = arith.constant 0 : i32
    %c0_i32_1 = arith.constant 0 : i32
    return %c0_i32, %c0_i32_0 : i32, i32
  }
  func.func @transform_2(%arg0: i32) -> (i32, i32, i32) {
    %c0_i32 = arith.constant 0 : i32
    %c0_i32_0 = arith.constant 0 : i32
    %c0_i32_1 = arith.constant 0 : i32
    return %arg0, %c0_i32, %c0_i32_0 : i32, i32, i32
  }
  func.func @transform_3(%arg0: i32) -> (i32, i32) {
    %c0_i32 = arith.constant 0 : i32
    %c0_i32_0 = arith.constant 0 : i32
    %c0_i32_1 = arith.constant 0 : i32
    return %c0_i32, %c0_i32_0 : i32, i32
  }
}

module attributes {stable_mosaic.version = 14 : i64} {
  func.func @_tc_full_body(%arg0: i32, %arg1: memref<16x256x128xf32, #tpu.memory_space<vmem>>, %arg2: memref<1024x256xf32, #tpu.memory_space<vmem>>, %arg3: memref<16x96x256xf32, #tpu.memory_space<vmem>>, %arg4: memref<1x1xf32, #tpu.memory_space<smem>>, %arg5: memref<1024x128xf32, #tpu.memory_space<vmem>>, %arg6: memref<1024x256xbf16, #tpu.memory_space<vmem>>) attributes {dimension_semantics = [#tpu.dimension_semantics<arbitrary>], iteration_bounds = array<i64: 3>, scalar_prefetch = 0 : i64, scratch_operands = 2 : i64, tpu.core_type = #tpu.core_type<tc>, window_params = [{transform_indices = @transform_0, window_bounds = array<i64: 16, 256, 128>}, {pipeline_mode = #tpu.pipeline_mode<synchronous>, transform_indices = @transform_1, window_bounds = array<i64: 1024, 256>}, {transform_indices = @transform_2, window_bounds = array<i64: 16, 96, 256>}, {transform_indices = @transform_3, window_bounds = array<i64: 1, 1>}]} {
    %get3A = arith.constant 0 : index
    %get3A_0 = arith.constant 0 : index
    %get3A_1 = vector.load %arg2[%get3A, %get3A_0] : memref<1024x256xf32, #tpu.memory_space<vmem>>, vector<1024x256xf32>
    %eq3A = arith.constant 0 : i32
    %eq3A_2 = arith.cmpi eq, %arg0, %eq3A : i32
    %convert_element_type3A = arith.extui %eq3A_2 : i1 to i32
    %cond3A = arith.constant 0 : i32
    %cond3A_3 = arith.cmpi ne, %convert_element_type3A, %cond3A : i32
    scf.if %cond3A_3 {
      %mul3A_251 = arith.mulf %get3A_1, %get3A_1 : vector<1024x256xf32>
      %reduce_sum3A_252 = arith.constant dense<0.000000e+00> : vector<1024xf32>
      %reduce_sum3A_253 = vector.multi_reduction <add>, %mul3A_251, %reduce_sum3A_252 [1] : vector<1024x256xf32> to vector<1024xf32>
      %broadcast_in_dim3A_254 = vector.shape_cast %reduce_sum3A_253 : vector<1024xf32> to vector<1024x1xf32>
      %broadcast_in_dim3A_255 = vector.shape_cast %broadcast_in_dim3A_254 : vector<1024x1xf32> to vector<1024x1xf32>
      %broadcast_in_dim3A_256 = vector.broadcast %broadcast_in_dim3A_255 : vector<1024x1xf32> to vector<1024x128xf32>
      %mul3A_257 = arith.constant 5.000000e-01 : f32
      %mul3A_258 = vector.broadcast %mul3A_257 : f32 to vector<1024x128xf32>
      %mul3A_259 = arith.mulf %mul3A_258, %broadcast_in_dim3A_256 : vector<1024x128xf32>
      %swap3A_260 = arith.constant 0 : index
      %swap3A_261 = arith.constant 0 : index
      %swap3A_262 = vector.load %arg5[%swap3A_260, %swap3A_261] : memref<1024x128xf32, #tpu.memory_space<vmem>>, vector<1024x128xf32>
      tpu.vector_store %arg5[%swap3A_260, %swap3A_261], %mul3A_259 {strides = array<i32>} : memref<1024x128xf32, #tpu.memory_space<vmem>>, vector<1024x128xf32>,
    } else {
    }
    %eq3A_4 = arith.constant 0 : i32
    %eq3A_5 = arith.cmpi eq, %arg0, %eq3A_4 : i32
    %convert_element_type3A_6 = arith.extui %eq3A_5 : i1 to i32
    %cond3A_7 = arith.constant 0 : i32
    %cond3A_8 = arith.cmpi ne, %convert_element_type3A_6, %cond3A_7 : i32
    scf.if %cond3A_8 {
      %convert_element_type3A_251 = arith.truncf %get3A_1 : vector<1024x256xf32> to vector<1024x256xbf16>
      %swap3A_252 = arith.constant 0 : index
      %swap3A_253 = arith.constant 0 : index
      %swap3A_254 = vector.load %arg6[%swap3A_252, %swap3A_253] : memref<1024x256xbf16, #tpu.memory_space<vmem>>, vector<1024x256xbf16>
      tpu.vector_store %arg6[%swap3A_252, %swap3A_253], %convert_element_type3A_251 {strides = array<i32>} : memref<1024x256xbf16, #tpu.memory_space<vmem>>, vector<1024x256xbf16>,
    } else {
    }
    %get3A_9 = arith.constant 0 : index
    %get3A_10 = arith.constant 0 : index
    %get3A_11 = arith.constant 0 : index
    %get3A_12 = vector.load %arg1[%get3A_9, %get3A_10, %get3A_11] : memref<16x256x128xf32, #tpu.memory_space<vmem>>, vector<1x256x128xf32>
    %get3A_13 = vector.shape_cast %get3A_12 : vector<1x256x128xf32> to vector<256x128xf32>
    %slice3A = vector.extract_strided_slice %get3A_13 {offsets = [0, 0], sizes = [256, 96], strides = [1, 1]} : vector<256x128xf32> to vector<256x96xf32>
    %get3A_14 = arith.constant 1 : index
    %get3A_15 = arith.constant 0 : index
    %get3A_16 = arith.constant 0 : index
    %get3A_17 = vector.load %arg1[%get3A_14, %get3A_15, %get3A_16] : memref<16x256x128xf32, #tpu.memory_space<vmem>>, vector<1x256x128xf32>
    %get3A_18 = vector.shape_cast %get3A_17 : vector<1x256x128xf32> to vector<256x128xf32>
    %slice3A_19 = vector.extract_strided_slice %get3A_18 {offsets = [0, 0], sizes = [256, 96], strides = [1, 1]} : vector<256x128xf32> to vector<256x96xf32>
    %get3A_20 = arith.constant 2 : index
    %get3A_21 = arith.constant 0 : index
    %get3A_22 = arith.constant 0 : index
    %get3A_23 = vector.load %arg1[%get3A_20, %get3A_21, %get3A_22] : memref<16x256x128xf32, #tpu.memory_space<vmem>>, vector<1x256x128xf32>
    %get3A_24 = vector.shape_cast %get3A_23 : vector<1x256x128xf32> to vector<256x128xf32>
    %slice3A_25 = vector.extract_strided_slice %get3A_24 {offsets = [0, 0], sizes = [256, 96], strides = [1, 1]} : vector<256x128xf32> to vector<256x96xf32>
    %get3A_26 = arith.constant 3 : index
    %get3A_27 = arith.constant 0 : index
    %get3A_28 = arith.constant 0 : index
    %get3A_29 = vector.load %arg1[%get3A_26, %get3A_27, %get3A_28] : memref<16x256x128xf32, #tpu.memory_space<vmem>>, vector<1x256x128xf32>
    %get3A_30 = vector.shape_cast %get3A_29 : vector<1x256x128xf32> to vector<256x128xf32>
    %slice3A_31 = vector.extract_strided_slice %get3A_30 {offsets = [0, 0], sizes = [256, 96], strides = [1, 1]} : vector<256x128xf32> to vector<256x96xf32>
    %get3A_32 = arith.constant 4 : index
    %get3A_33 = arith.constant 0 : index
    %get3A_34 = arith.constant 0 : index
    %get3A_35 = vector.load %arg1[%get3A_32, %get3A_33, %get3A_34] : memref<16x256x128xf32, #tpu.memory_space<vmem>>, vector<1x256x128xf32>
    %get3A_36 = vector.shape_cast %get3A_35 : vector<1x256x128xf32> to vector<256x128xf32>
    %slice3A_37 = vector.extract_strided_slice %get3A_36 {offsets = [0, 0], sizes = [256, 96], strides = [1, 1]} : vector<256x128xf32> to vector<256x96xf32>
    %get3A_38 = arith.constant 5 : index
    %get3A_39 = arith.constant 0 : index
    %get3A_40 = arith.constant 0 : index
    %get3A_41 = vector.load %arg1[%get3A_38, %get3A_39, %get3A_40] : memref<16x256x128xf32, #tpu.memory_space<vmem>>, vector<1x256x128xf32>
    %get3A_42 = vector.shape_cast %get3A_41 : vector<1x256x128xf32> to vector<256x128xf32>
    %slice3A_43 = vector.extract_strided_slice %get3A_42 {offsets = [0, 0], sizes = [256, 96], strides = [1, 1]} : vector<256x128xf32> to vector<256x96xf32>
    %get3A_44 = arith.constant 6 : index
    %get3A_45 = arith.constant 0 : index
    %get3A_46 = arith.constant 0 : index
    %get3A_47 = vector.load %arg1[%get3A_44, %get3A_45, %get3A_46] : memref<16x256x128xf32, #tpu.memory_space<vmem>>, vector<1x256x128xf32>
    %get3A_48 = vector.shape_cast %get3A_47 : vector<1x256x128xf32> to vector<256x128xf32>
    %slice3A_49 = vector.extract_strided_slice %get3A_48 {offsets = [0, 0], sizes = [256, 96], strides = [1, 1]} : vector<256x128xf32> to vector<256x96xf32>
    %get3A_50 = arith.constant 7 : index
    %get3A_51 = arith.constant 0 : index
    %get3A_52 = arith.constant 0 : index
    %get3A_53 = vector.load %arg1[%get3A_50, %get3A_51, %get3A_52] : memref<16x256x128xf32, #tpu.memory_space<vmem>>, vector<1x256x128xf32>
    %get3A_54 = vector.shape_cast %get3A_53 : vector<1x256x128xf32> to vector<256x128xf32>
    %slice3A_55 = vector.extract_strided_slice %get3A_54 {offsets = [0, 0], sizes = [256, 96], strides = [1, 1]} : vector<256x128xf32> to vector<256x96xf32>
    %get3A_56 = arith.constant 8 : index
    %get3A_57 = arith.constant 0 : index
    %get3A_58 = arith.constant 0 : index
    %get3A_59 = vector.load %arg1[%get3A_56, %get3A_57, %get3A_58] : memref<16x256x128xf32, #tpu.memory_space<vmem>>, vector<1x256x128xf32>
    %get3A_60 = vector.shape_cast %get3A_59 : vector<1x256x128xf32> to vector<256x128xf32>
    %slice3A_61 = vector.extract_strided_slice %get3A_60 {offsets = [0, 0], sizes = [256, 96], strides = [1, 1]} : vector<256x128xf32> to vector<256x96xf32>
    %get3A_62 = arith.constant 9 : index
    %get3A_63 = arith.constant 0 : index
    %get3A_64 = arith.constant 0 : index
    %get3A_65 = vector.load %arg1[%get3A_62, %get3A_63, %get3A_64] : memref<16x256x128xf32, #tpu.memory_space<vmem>>, vector<1x256x128xf32>
    %get3A_66 = vector.shape_cast %get3A_65 : vector<1x256x128xf32> to vector<256x128xf32>
    %slice3A_67 = vector.extract_strided_slice %get3A_66 {offsets = [0, 0], sizes = [256, 96], strides = [1, 1]} : vector<256x128xf32> to vector<256x96xf32>
    %get3A_68 = arith.constant 10 : index
    %get3A_69 = arith.constant 0 : index
    %get3A_70 = arith.constant 0 : index
    %get3A_71 = vector.load %arg1[%get3A_68, %get3A_69, %get3A_70] : memref<16x256x128xf32, #tpu.memory_space<vmem>>, vector<1x256x128xf32>
    %get3A_72 = vector.shape_cast %get3A_71 : vector<1x256x128xf32> to vector<256x128xf32>
    %slice3A_73 = vector.extract_strided_slice %get3A_72 {offsets = [0, 0], sizes = [256, 96], strides = [1, 1]} : vector<256x128xf32> to vector<256x96xf32>
    %get3A_74 = arith.constant 11 : index
    %get3A_75 = arith.constant 0 : index
    %get3A_76 = arith.constant 0 : index
    %get3A_77 = vector.load %arg1[%get3A_74, %get3A_75, %get3A_76] : memref<16x256x128xf32, #tpu.memory_space<vmem>>, vector<1x256x128xf32>
    %get3A_78 = vector.shape_cast %get3A_77 : vector<1x256x128xf32> to vector<256x128xf32>
    %slice3A_79 = vector.extract_strided_slice %get3A_78 {offsets = [0, 0], sizes = [256, 96], strides = [1, 1]} : vector<256x128xf32> to vector<256x96xf32>
    %get3A_80 = arith.constant 12 : index
    %get3A_81 = arith.constant 0 : index
    %get3A_82 = arith.constant 0 : index
    %get3A_83 = vector.load %arg1[%get3A_80, %get3A_81, %get3A_82] : memref<16x256x128xf32, #tpu.memory_space<vmem>>, vector<1x256x128xf32>
    %get3A_84 = vector.shape_cast %get3A_83 : vector<1x256x128xf32> to vector<256x128xf32>
    %slice3A_85 = vector.extract_strided_slice %get3A_84 {offsets = [0, 0], sizes = [256, 96], strides = [1, 1]} : vector<256x128xf32> to vector<256x96xf32>
    %get3A_86 = arith.constant 13 : index
    %get3A_87 = arith.constant 0 : index
    %get3A_88 = arith.constant 0 : index
    %get3A_89 = vector.load %arg1[%get3A_86, %get3A_87, %get3A_88] : memref<16x256x128xf32, #tpu.memory_space<vmem>>, vector<1x256x128xf32>
    %get3A_90 = vector.shape_cast %get3A_89 : vector<1x256x128xf32> to vector<256x128xf32>
    %slice3A_91 = vector.extract_strided_slice %get3A_90 {offsets = [0, 0], sizes = [256, 96], strides = [1, 1]} : vector<256x128xf32> to vector<256x96xf32>
    %get3A_92 = arith.constant 14 : index
    %get3A_93 = arith.constant 0 : index
    %get3A_94 = arith.constant 0 : index
    %get3A_95 = vector.load %arg1[%get3A_92, %get3A_93, %get3A_94] : memref<16x256x128xf32, #tpu.memory_space<vmem>>, vector<1x256x128xf32>
    %get3A_96 = vector.shape_cast %get3A_95 : vector<1x256x128xf32> to vector<256x128xf32>
    %slice3A_97 = vector.extract_strided_slice %get3A_96 {offsets = [0, 0], sizes = [256, 96], strides = [1, 1]} : vector<256x128xf32> to vector<256x96xf32>
    %get3A_98 = arith.constant 15 : index
    %get3A_99 = arith.constant 0 : index
    %get3A_100 = arith.constant 0 : index
    %get3A_101 = vector.load %arg1[%get3A_98, %get3A_99, %get3A_100] : memref<16x256x128xf32, #tpu.memory_space<vmem>>, vector<1x256x128xf32>
    %get3A_102 = vector.shape_cast %get3A_101 : vector<1x256x128xf32> to vector<256x128xf32>
    %slice3A_103 = vector.extract_strided_slice %get3A_102 {offsets = [0, 0], sizes = [256, 96], strides = [1, 1]} : vector<256x128xf32> to vector<256x96xf32>
    %concatenate3A = tpu.concatenate %slice3A, %slice3A_19, %slice3A_25, %slice3A_31, %slice3A_37, %slice3A_43, %slice3A_49, %slice3A_55, %slice3A_61, %slice3A_67, %slice3A_73, %slice3A_79, %slice3A_85, %slice3A_91, %slice3A_97, %slice3A_103 in 1 : vector<256x96xf32>, vector<256x96xf32>, vector<256x96xf32>, vector<256x96xf32>, vector<256x96xf32>, vector<256x96xf32>, vector<256x96xf32>, vector<256x96xf32>, vector<256x96xf32>, vector<256x96xf32>, vector<256x96xf32>, vector<256x96xf32>, vector<256x96xf32>, vector<256x96xf32>, vector<256x96xf32>, vector<256x96xf32> -> vector<256x1536xf32>
    %dot_general3A = arith.constant dense<0.000000e+00> : vector<1024x1536xf32>
    %dot_general3A_104 = tpu.matmul %get3A_1, %concatenate3A, %dot_general3A {dimension_numbers = #tpu.dot_dimension_numbers<[1], [0], [0], [1], [0, 0, 1, 1], [], []>, transpose_lhs_hint = false} : vector<1024x256xf32>, vector<256x1536xf32>, vector<1024x1536xf32> -> vector<1024x1536xf32>
    %get3A_105 = arith.constant 0 : index
    %get3A_106 = arith.constant 0 : index
    %get3A_107 = vector.load %arg5[%get3A_105, %get3A_106] : memref<1024x128xf32, #tpu.memory_space<vmem>>, vector<1024x1xf32>
    %sub3A = vector.broadcast %get3A_107 : vector<1024x1xf32> to vector<1024x1536xf32>
    %sub3A_108 = arith.subf %sub3A, %dot_general3A_104 : vector<1024x1536xf32>
    %argmin3A = tpu.reduce_index %sub3A_108 {axis = 0 : i32, kind = #tpu.reduction_kind<arg_min>} : vector<1024x1536xf32> -> vector<1536xi32>
    %mul3A = arith.mulf %concatenate3A, %concatenate3A : vector<256x1536xf32>
    %reduce_sum3A = arith.constant dense<0.000000e+00> : vector<1536xf32>
    %reduce_sum3A_109 = vector.multi_reduction <add>, %mul3A, %reduce_sum3A [0] : vector<256x1536xf32> to vector<1536xf32>
    %broadcast_in_dim3A = vector.shape_cast %reduce_sum3A_109 : vector<1536xf32> to vector<1x1536xf32>
    %reduce_min3A = arith.constant dense<0x7F800000> : vector<1536xf32>
    %reduce_min3A_110 = vector.multi_reduction <minimumf>, %sub3A_108, %reduce_min3A [0] : vector<1024x1536xf32> to vector<1536xf32>
    %broadcast_in_dim3A_111 = vector.shape_cast %reduce_min3A_110 : vector<1536xf32> to vector<1x1536xf32>
    %mul3A_112 = arith.constant 2.000000e+00 : f32
    %mul3A_113 = vector.broadcast %mul3A_112 : f32 to vector<1x1536xf32>
    %mul3A_114 = arith.mulf %mul3A_113, %broadcast_in_dim3A_111 : vector<1x1536xf32>
    %add3A = arith.addf %broadcast_in_dim3A, %mul3A_114 : vector<1x1536xf32>
    %reduce_sum3A_115 = vector.shape_cast %add3A : vector<1x1536xf32> to vector<1x1x1536xf32>
    %reduce_sum3A_116 = arith.constant dense<0.000000e+00> : vector<1xf32>
    %reduce_sum3A_117 = vector.multi_reduction <add>, %reduce_sum3A_115, %reduce_sum3A_116 [1, 2] : vector<1x1x1536xf32> to vector<1xf32>
    %reduce_sum3A_118 = vector.shape_cast %reduce_sum3A_117 : vector<1xf32> to vector<1x1x1xf32>
    %reduce_sum3A_119 = vector.extract %reduce_sum3A_118[0, 0, 0] : f32 from vector<1x1x1xf32>
    %iota3A = tpu.iota {dimensions = array<i32: 0>} : vector<1024x1536xi32>
    %broadcast_in_dim3A_120 = vector.shape_cast %argmin3A : vector<1536xi32> to vector<1x1536xi32>
    %eq3A_121 = vector.broadcast %broadcast_in_dim3A_120 : vector<1x1536xi32> to vector<1024x1536xi32>
    %eq3A_122 = arith.cmpi eq, %iota3A, %eq3A_121 : vector<1024x1536xi32>
    %convert_element_type3A_123 = arith.extui %eq3A_122 : vector<1024x1536xi1> to vector<1024x1536xi32>
    %convert_element_type3A_124 = arith.sitofp %convert_element_type3A_123 : vector<1024x1536xi32> to vector<1024x1536xf32>
    %convert_element_type3A_125 = arith.truncf %convert_element_type3A_124 : vector<1024x1536xf32> to vector<1024x1536xbf16>
    %get3A_126 = arith.constant 0 : index
    %get3A_127 = arith.constant 0 : index
    %get3A_128 = vector.load %arg6[%get3A_126, %get3A_127] : memref<1024x256xbf16, #tpu.memory_space<vmem>>, vector<1024x256xbf16>
    %dot_general3A_129 = arith.constant dense<0.000000e+00> : vector<1536x256xf32>
    %dot_general3A_130 = tpu.matmul %convert_element_type3A_125, %get3A_128, %dot_general3A_129 {dimension_numbers = #tpu.dot_dimension_numbers<[0], [0], [1], [1], [0, 1, 1, 1], [], []>, transpose_lhs_hint = false} : vector<1024x1536xbf16>, vector<1024x256xbf16>, vector<1536x256xf32> -> vector<1536x256xf32>
    %slice3A_131 = vector.extract_strided_slice %dot_general3A_130 {offsets = [0, 0], sizes = [96, 256], strides = [1, 1]} : vector<1536x256xf32> to vector<96x256xf32>
    %swap3A = arith.constant 0 : index
    %swap3A_132 = arith.constant 0 : index
    %swap3A_133 = arith.constant 0 : index
    %swap3A_134 = vector.load %arg3[%swap3A, %swap3A_132, %swap3A_133] : memref<16x96x256xf32, #tpu.memory_space<vmem>>, vector<1x96x256xf32>
    %swap3A_135 = vector.shape_cast %swap3A_134 : vector<1x96x256xf32> to vector<96x256xf32>
    %swap3A_136 = vector.shape_cast %slice3A_131 : vector<96x256xf32> to vector<1x96x256xf32>
    tpu.vector_store %arg3[%swap3A, %swap3A_132, %swap3A_133], %swap3A_136 {strides = array<i32>} : memref<16x96x256xf32, #tpu.memory_space<vmem>>, vector<1x96x256xf32>,
    %slice3A_137 = vector.extract_strided_slice %dot_general3A_130 {offsets = [96, 0], sizes = [96, 256], strides = [1, 1]} : vector<1536x256xf32> to vector<96x256xf32>
    %swap3A_138 = arith.constant 1 : index
    %swap3A_139 = arith.constant 0 : index
    %swap3A_140 = arith.constant 0 : index
    %swap3A_141 = vector.load %arg3[%swap3A_138, %swap3A_139, %swap3A_140] : memref<16x96x256xf32, #tpu.memory_space<vmem>>, vector<1x96x256xf32>
    %swap3A_142 = vector.shape_cast %swap3A_141 : vector<1x96x256xf32> to vector<96x256xf32>
    %swap3A_143 = vector.shape_cast %slice3A_137 : vector<96x256xf32> to vector<1x96x256xf32>
    tpu.vector_store %arg3[%swap3A_138, %swap3A_139, %swap3A_140], %swap3A_143 {strides = array<i32>} : memref<16x96x256xf32, #tpu.memory_space<vmem>>, vector<1x96x256xf32>,
    %slice3A_144 = vector.extract_strided_slice %dot_general3A_130 {offsets = [192, 0], sizes = [96, 256], strides = [1, 1]} : vector<1536x256xf32> to vector<96x256xf32>
    %swap3A_145 = arith.constant 2 : index
    %swap3A_146 = arith.constant 0 : index
    %swap3A_147 = arith.constant 0 : index
    %swap3A_148 = vector.load %arg3[%swap3A_145, %swap3A_146, %swap3A_147] : memref<16x96x256xf32, #tpu.memory_space<vmem>>, vector<1x96x256xf32>
    %swap3A_149 = vector.shape_cast %swap3A_148 : vector<1x96x256xf32> to vector<96x256xf32>
    %swap3A_150 = vector.shape_cast %slice3A_144 : vector<96x256xf32> to vector<1x96x256xf32>
    tpu.vector_store %arg3[%swap3A_145, %swap3A_146, %swap3A_147], %swap3A_150 {strides = array<i32>} : memref<16x96x256xf32, #tpu.memory_space<vmem>>, vector<1x96x256xf32>,
    %slice3A_151 = vector.extract_strided_slice %dot_general3A_130 {offsets = [288, 0], sizes = [96, 256], strides = [1, 1]} : vector<1536x256xf32> to vector<96x256xf32>
    %swap3A_152 = arith.constant 3 : index
    %swap3A_153 = arith.constant 0 : index
    %swap3A_154 = arith.constant 0 : index
    %swap3A_155 = vector.load %arg3[%swap3A_152, %swap3A_153, %swap3A_154] : memref<16x96x256xf32, #tpu.memory_space<vmem>>, vector<1x96x256xf32>
    %swap3A_156 = vector.shape_cast %swap3A_155 : vector<1x96x256xf32> to vector<96x256xf32>
    %swap3A_157 = vector.shape_cast %slice3A_151 : vector<96x256xf32> to vector<1x96x256xf32>
    tpu.vector_store %arg3[%swap3A_152, %swap3A_153, %swap3A_154], %swap3A_157 {strides = array<i32>} : memref<16x96x256xf32, #tpu.memory_space<vmem>>, vector<1x96x256xf32>,
    %slice3A_158 = vector.extract_strided_slice %dot_general3A_130 {offsets = [384, 0], sizes = [96, 256], strides = [1, 1]} : vector<1536x256xf32> to vector<96x256xf32>
    %swap3A_159 = arith.constant 4 : index
    %swap3A_160 = arith.constant 0 : index
    %swap3A_161 = arith.constant 0 : index
    %swap3A_162 = vector.load %arg3[%swap3A_159, %swap3A_160, %swap3A_161] : memref<16x96x256xf32, #tpu.memory_space<vmem>>, vector<1x96x256xf32>
    %swap3A_163 = vector.shape_cast %swap3A_162 : vector<1x96x256xf32> to vector<96x256xf32>
    %swap3A_164 = vector.shape_cast %slice3A_158 : vector<96x256xf32> to vector<1x96x256xf32>
    tpu.vector_store %arg3[%swap3A_159, %swap3A_160, %swap3A_161], %swap3A_164 {strides = array<i32>} : memref<16x96x256xf32, #tpu.memory_space<vmem>>, vector<1x96x256xf32>,
    %slice3A_165 = vector.extract_strided_slice %dot_general3A_130 {offsets = [480, 0], sizes = [96, 256], strides = [1, 1]} : vector<1536x256xf32> to vector<96x256xf32>
    %swap3A_166 = arith.constant 5 : index
    %swap3A_167 = arith.constant 0 : index
    %swap3A_168 = arith.constant 0 : index
    %swap3A_169 = vector.load %arg3[%swap3A_166, %swap3A_167, %swap3A_168] : memref<16x96x256xf32, #tpu.memory_space<vmem>>, vector<1x96x256xf32>
    %swap3A_170 = vector.shape_cast %swap3A_169 : vector<1x96x256xf32> to vector<96x256xf32>
    %swap3A_171 = vector.shape_cast %slice3A_165 : vector<96x256xf32> to vector<1x96x256xf32>
    tpu.vector_store %arg3[%swap3A_166, %swap3A_167, %swap3A_168], %swap3A_171 {strides = array<i32>} : memref<16x96x256xf32, #tpu.memory_space<vmem>>, vector<1x96x256xf32>,
    %slice3A_172 = vector.extract_strided_slice %dot_general3A_130 {offsets = [576, 0], sizes = [96, 256], strides = [1, 1]} : vector<1536x256xf32> to vector<96x256xf32>
    %swap3A_173 = arith.constant 6 : index
    %swap3A_174 = arith.constant 0 : index
    %swap3A_175 = arith.constant 0 : index
    %swap3A_176 = vector.load %arg3[%swap3A_173, %swap3A_174, %swap3A_175] : memref<16x96x256xf32, #tpu.memory_space<vmem>>, vector<1x96x256xf32>
    %swap3A_177 = vector.shape_cast %swap3A_176 : vector<1x96x256xf32> to vector<96x256xf32>
    %swap3A_178 = vector.shape_cast %slice3A_172 : vector<96x256xf32> to vector<1x96x256xf32>
    tpu.vector_store %arg3[%swap3A_173, %swap3A_174, %swap3A_175], %swap3A_178 {strides = array<i32>} : memref<16x96x256xf32, #tpu.memory_space<vmem>>, vector<1x96x256xf32>,
    %slice3A_179 = vector.extract_strided_slice %dot_general3A_130 {offsets = [672, 0], sizes = [96, 256], strides = [1, 1]} : vector<1536x256xf32> to vector<96x256xf32>
    %swap3A_180 = arith.constant 7 : index
    %swap3A_181 = arith.constant 0 : index
    %swap3A_182 = arith.constant 0 : index
    %swap3A_183 = vector.load %arg3[%swap3A_180, %swap3A_181, %swap3A_182] : memref<16x96x256xf32, #tpu.memory_space<vmem>>, vector<1x96x256xf32>
    %swap3A_184 = vector.shape_cast %swap3A_183 : vector<1x96x256xf32> to vector<96x256xf32>
    %swap3A_185 = vector.shape_cast %slice3A_179 : vector<96x256xf32> to vector<1x96x256xf32>
    tpu.vector_store %arg3[%swap3A_180, %swap3A_181, %swap3A_182], %swap3A_185 {strides = array<i32>} : memref<16x96x256xf32, #tpu.memory_space<vmem>>, vector<1x96x256xf32>,
    %slice3A_186 = vector.extract_strided_slice %dot_general3A_130 {offsets = [768, 0], sizes = [96, 256], strides = [1, 1]} : vector<1536x256xf32> to vector<96x256xf32>
    %swap3A_187 = arith.constant 8 : index
    %swap3A_188 = arith.constant 0 : index
    %swap3A_189 = arith.constant 0 : index
    %swap3A_190 = vector.load %arg3[%swap3A_187, %swap3A_188, %swap3A_189] : memref<16x96x256xf32, #tpu.memory_space<vmem>>, vector<1x96x256xf32>
    %swap3A_191 = vector.shape_cast %swap3A_190 : vector<1x96x256xf32> to vector<96x256xf32>
    %swap3A_192 = vector.shape_cast %slice3A_186 : vector<96x256xf32> to vector<1x96x256xf32>
    tpu.vector_store %arg3[%swap3A_187, %swap3A_188, %swap3A_189], %swap3A_192 {strides = array<i32>} : memref<16x96x256xf32, #tpu.memory_space<vmem>>, vector<1x96x256xf32>,
    %slice3A_193 = vector.extract_strided_slice %dot_general3A_130 {offsets = [864, 0], sizes = [96, 256], strides = [1, 1]} : vector<1536x256xf32> to vector<96x256xf32>
    %swap3A_194 = arith.constant 9 : index
    %swap3A_195 = arith.constant 0 : index
    %swap3A_196 = arith.constant 0 : index
    %swap3A_197 = vector.load %arg3[%swap3A_194, %swap3A_195, %swap3A_196] : memref<16x96x256xf32, #tpu.memory_space<vmem>>, vector<1x96x256xf32>
    %swap3A_198 = vector.shape_cast %swap3A_197 : vector<1x96x256xf32> to vector<96x256xf32>
    %swap3A_199 = vector.shape_cast %slice3A_193 : vector<96x256xf32> to vector<1x96x256xf32>
    tpu.vector_store %arg3[%swap3A_194, %swap3A_195, %swap3A_196], %swap3A_199 {strides = array<i32>} : memref<16x96x256xf32, #tpu.memory_space<vmem>>, vector<1x96x256xf32>,
    %slice3A_200 = vector.extract_strided_slice %dot_general3A_130 {offsets = [960, 0], sizes = [96, 256], strides = [1, 1]} : vector<1536x256xf32> to vector<96x256xf32>
    %swap3A_201 = arith.constant 10 : index
    %swap3A_202 = arith.constant 0 : index
    %swap3A_203 = arith.constant 0 : index
    %swap3A_204 = vector.load %arg3[%swap3A_201, %swap3A_202, %swap3A_203] : memref<16x96x256xf32, #tpu.memory_space<vmem>>, vector<1x96x256xf32>
    %swap3A_205 = vector.shape_cast %swap3A_204 : vector<1x96x256xf32> to vector<96x256xf32>
    %swap3A_206 = vector.shape_cast %slice3A_200 : vector<96x256xf32> to vector<1x96x256xf32>
    tpu.vector_store %arg3[%swap3A_201, %swap3A_202, %swap3A_203], %swap3A_206 {strides = array<i32>} : memref<16x96x256xf32, #tpu.memory_space<vmem>>, vector<1x96x256xf32>,
    %slice3A_207 = vector.extract_strided_slice %dot_general3A_130 {offsets = [1056, 0], sizes = [96, 256], strides = [1, 1]} : vector<1536x256xf32> to vector<96x256xf32>
    %swap3A_208 = arith.constant 11 : index
    %swap3A_209 = arith.constant 0 : index
    %swap3A_210 = arith.constant 0 : index
    %swap3A_211 = vector.load %arg3[%swap3A_208, %swap3A_209, %swap3A_210] : memref<16x96x256xf32, #tpu.memory_space<vmem>>, vector<1x96x256xf32>
    %swap3A_212 = vector.shape_cast %swap3A_211 : vector<1x96x256xf32> to vector<96x256xf32>
    %swap3A_213 = vector.shape_cast %slice3A_207 : vector<96x256xf32> to vector<1x96x256xf32>
    tpu.vector_store %arg3[%swap3A_208, %swap3A_209, %swap3A_210], %swap3A_213 {strides = array<i32>} : memref<16x96x256xf32, #tpu.memory_space<vmem>>, vector<1x96x256xf32>,
    %slice3A_214 = vector.extract_strided_slice %dot_general3A_130 {offsets = [1152, 0], sizes = [96, 256], strides = [1, 1]} : vector<1536x256xf32> to vector<96x256xf32>
    %swap3A_215 = arith.constant 12 : index
    %swap3A_216 = arith.constant 0 : index
    %swap3A_217 = arith.constant 0 : index
    %swap3A_218 = vector.load %arg3[%swap3A_215, %swap3A_216, %swap3A_217] : memref<16x96x256xf32, #tpu.memory_space<vmem>>, vector<1x96x256xf32>
    %swap3A_219 = vector.shape_cast %swap3A_218 : vector<1x96x256xf32> to vector<96x256xf32>
    %swap3A_220 = vector.shape_cast %slice3A_214 : vector<96x256xf32> to vector<1x96x256xf32>
    tpu.vector_store %arg3[%swap3A_215, %swap3A_216, %swap3A_217], %swap3A_220 {strides = array<i32>} : memref<16x96x256xf32, #tpu.memory_space<vmem>>, vector<1x96x256xf32>,
    %slice3A_221 = vector.extract_strided_slice %dot_general3A_130 {offsets = [1248, 0], sizes = [96, 256], strides = [1, 1]} : vector<1536x256xf32> to vector<96x256xf32>
    %swap3A_222 = arith.constant 13 : index
    %swap3A_223 = arith.constant 0 : index
    %swap3A_224 = arith.constant 0 : index
    %swap3A_225 = vector.load %arg3[%swap3A_222, %swap3A_223, %swap3A_224] : memref<16x96x256xf32, #tpu.memory_space<vmem>>, vector<1x96x256xf32>
    %swap3A_226 = vector.shape_cast %swap3A_225 : vector<1x96x256xf32> to vector<96x256xf32>
    %swap3A_227 = vector.shape_cast %slice3A_221 : vector<96x256xf32> to vector<1x96x256xf32>
    tpu.vector_store %arg3[%swap3A_222, %swap3A_223, %swap3A_224], %swap3A_227 {strides = array<i32>} : memref<16x96x256xf32, #tpu.memory_space<vmem>>, vector<1x96x256xf32>,
    %slice3A_228 = vector.extract_strided_slice %dot_general3A_130 {offsets = [1344, 0], sizes = [96, 256], strides = [1, 1]} : vector<1536x256xf32> to vector<96x256xf32>
    %swap3A_229 = arith.constant 14 : index
    %swap3A_230 = arith.constant 0 : index
    %swap3A_231 = arith.constant 0 : index
    %swap3A_232 = vector.load %arg3[%swap3A_229, %swap3A_230, %swap3A_231] : memref<16x96x256xf32, #tpu.memory_space<vmem>>, vector<1x96x256xf32>
    %swap3A_233 = vector.shape_cast %swap3A_232 : vector<1x96x256xf32> to vector<96x256xf32>
    %swap3A_234 = vector.shape_cast %slice3A_228 : vector<96x256xf32> to vector<1x96x256xf32>
    tpu.vector_store %arg3[%swap3A_229, %swap3A_230, %swap3A_231], %swap3A_234 {strides = array<i32>} : memref<16x96x256xf32, #tpu.memory_space<vmem>>, vector<1x96x256xf32>,
    %slice3A_235 = vector.extract_strided_slice %dot_general3A_130 {offsets = [1440, 0], sizes = [96, 256], strides = [1, 1]} : vector<1536x256xf32> to vector<96x256xf32>
    %swap3A_236 = arith.constant 15 : index
    %swap3A_237 = arith.constant 0 : index
    %swap3A_238 = arith.constant 0 : index
    %swap3A_239 = vector.load %arg3[%swap3A_236, %swap3A_237, %swap3A_238] : memref<16x96x256xf32, #tpu.memory_space<vmem>>, vector<1x96x256xf32>
    %swap3A_240 = vector.shape_cast %swap3A_239 : vector<1x96x256xf32> to vector<96x256xf32>
    %swap3A_241 = vector.shape_cast %slice3A_235 : vector<96x256xf32> to vector<1x96x256xf32>
    tpu.vector_store %arg3[%swap3A_236, %swap3A_237, %swap3A_238], %swap3A_241 {strides = array<i32>} : memref<16x96x256xf32, #tpu.memory_space<vmem>>, vector<1x96x256xf32>,
    %eq3A_242 = arith.constant 0 : i32
    %eq3A_243 = arith.cmpi eq, %arg0, %eq3A_242 : i32
    %convert_element_type3A_244 = arith.extui %eq3A_243 : i1 to i32
    %cond3A_245 = arith.constant 0 : i32
    %cond3A_246 = arith.cmpi ne, %convert_element_type3A_244, %cond3A_245 : i32
    scf.if %cond3A_246 {
      %swap3A_251 = arith.constant 0 : index
      %swap3A_252 = arith.constant 0 : index
      %swap3A_253 = memref.load %arg4[%swap3A_251, %swap3A_252] : memref<1x1xf32, #tpu.memory_space<smem>>
      memref.store %reduce_sum3A_119, %arg4[%swap3A_251, %swap3A_252] : memref<1x1xf32, #tpu.memory_space<smem>>
    } else {
    }
    %gt3A = arith.constant 0 : i32
    %gt3A_247 = arith.cmpi sgt, %arg0, %gt3A : i32
    %convert_element_type3A_248 = arith.extui %gt3A_247 : i1 to i32
    %cond3A_249 = arith.constant 0 : i32
    %cond3A_250 = arith.cmpi ne, %convert_element_type3A_248, %cond3A_249 : i32
    scf.if %cond3A_250 {
      %get3A_251 = arith.constant 0 : index
      %get3A_252 = arith.constant 0 : index
      %get3A_253 = memref.load %arg4[%get3A_251, %get3A_252] : memref<1x1xf32, #tpu.memory_space<smem>>
      %add3A_254 = arith.addf %get3A_253, %reduce_sum3A_119 : f32
      %swap3A_255 = arith.constant 0 : index
      %swap3A_256 = arith.constant 0 : index
      %swap3A_257 = memref.load %arg4[%swap3A_255, %swap3A_256] : memref<1x1xf32, #tpu.memory_space<smem>>
      memref.store %add3A_254, %arg4[%swap3A_255, %swap3A_256] : memref<1x1xf32, #tpu.memory_space<smem>>
    } else {
    }
    return
  }
  func.func @transform_0(%arg0: i32) -> (i32, i32, i32) {
    %add3A = arith.constant 1 : i32
    %add3A_0 = arith.addi %arg0, %add3A : i32
    %c0_i32 = arith.constant 0 : i32
    %c0_i32_1 = arith.constant 0 : i32
    %c0_i32_2 = arith.constant 0 : i32
    return %add3A_0, %c0_i32, %c0_i32_1 : i32, i32, i32
  }
  func.func @transform_1(%arg0: i32) -> (i32, i32) {
    %c0_i32 = arith.constant 0 : i32
    %c0_i32_0 = arith.constant 0 : i32
    %c0_i32_1 = arith.constant 0 : i32
    return %c0_i32, %c0_i32_0 : i32, i32
  }
  func.func @transform_2(%arg0: i32) -> (i32, i32, i32) {
    %c0_i32 = arith.constant 0 : i32
    %c0_i32_0 = arith.constant 0 : i32
    %c0_i32_1 = arith.constant 0 : i32
    return %arg0, %c0_i32, %c0_i32_0 : i32, i32, i32
  }
  func.func @transform_3(%arg0: i32) -> (i32, i32) {
    %c0_i32 = arith.constant 0 : i32
    %c0_i32_0 = arith.constant 0 : i32
    %c0_i32_1 = arith.constant 0 : i32
    return %c0_i32, %c0_i32_0 : i32, i32
  }
}

</mosaic_0001>

<sc_bundles>
// kernel: kernel.5.cloned.1.call-start
scs
__scs_entry_jumppad:
0x0: {  	(pc) =	sbr.rel $0x88, $3  }
0x1: {  	(tag) =	ssettag $0x0;
	lr =	simm.s32 $0x1  }
0x2: {  	[smem:$0x3F9F] =	sst lr;
	_ =	strace $0xD0000000  }
0x3: {  	_ = 	snop  }
0x4: {  	_ = 	snop  }
0x5: {  	_ = 	snop  }
0x6: {  	_ = 	snop  }
0x7: {  	_ = 	snop  }
__scs_overlays_trampoline_lowered:
0x8: {  	[smem:$0x3FAE] =	sst s0  }
0x9: {  	[smem:$0x3FAF] =	sst s1  }
0xa: {  	[smem:$0x3FB0] =	sst s2  }
0xb: {  	[smem:$0x3FB1] =	sst s3  }
0xc: {  	[smem:$0x3FB2] =	sst s4  }
0xd: {  	[smem:$0x3FB3] =	sst s5  }
0xe: {  	[smem:$0x3FB4] =	sst s6  }
0xf: {  	[smem:$0x3FB5] =	sst s7  }
0x10: {  	[smem:$0x3FB6] =	sst s8  }
0x11: {  	[smem:$0x3FB7] =	sst s9;
	s0 =	simm.s32 @!p0 $0x0  }
0x12: {  	s1 =	sld [smem:$0x3F9D];
	s0 =	simm.s32 @p0 $0x1  }
0x13: {  	[smem:$0x3FB8] =	sst s0;
	s0 =	simm.s32 @!p1 $0x0  }
0x14: {  	s2 =	sld [smem:$0x3F9C];
	s0 =	simm.s32 @p1 $0x1  }
0x15: {  	[smem:$0x3FB9] =	sst s0;
	s0 =	simm.s32 @!p2 $0x0  }
0x16: {  	s3 =	sld [smem:$0x3FDB];
	s0 =	simm.s32 @p2 $0x1  }
0x17: {  	s4 =	simm.s32 $0x1BF5;
	[smem:$0x3FBB] =	sst s0  }
0x18: {  	s0 =	sld [smem:$0x3F9E];
	_ =	swait.ge [sflag:s4], $0x0  }
0x19: {  	s7 =	sld [smem:$0x3F9F]  }
0x1a: {  	s8 =	sadd.s32 $0xFFFFE003, lr  }
0x1b: {  	s9 =	sadd.s32 $0xFFFFFEF7, lr;
	s5 =	simm.s32 $0xFFFFFFFF;
	p2 =	slt.u32 s8, $0xFFFFF086  }
0x1c: {  	p1 =	slt.u32 s9, $0xF7A;
	s5 =	simm.s32 @!p2 $0x0  }
0x1d: {  	s5 =	simm.s32 @p1 $0x1;
	p0 =	seq.s32 s7, s2  }
0x1e: {  	s7 =	smul.u32 @!p0 $0xF7A, s2;
	p2 =	seq.s32 @!p0 s5, $0x0  }
0x1f: {  	s9 =	smul.u32 $0xF7A, s1;
	s8 =	simm.s32 @!p0 $0x1BF5;
	p2 =	por !p2, p0  }
0x20: {  	[sflag:s8] =	ssyncset.s32 @!p0 $0xFFFFF086;
	s6 =	sadd.s32 @!p0 s3, s7;
	s7 =	simm.s32 @!p0 $0x108  }
0x21: {  	s3 =	sadd.s32 s3, s9;
	s6 =	sadd.s32 @!p0 $0x88, s6;
	s7 =	simm.s32 @p2 $0x1082  }
0x22: {  	[simem:s7], [sflag:s8] =	dma.local @!p0 [hbm:s6], $0xF7A  }
0x23: {  	s9 =	sor.u32 $0xD0000000, s2;
	s6 =	simm.s32 $0x108;
	_ =	swait.ge @!p0 [sflag:s8], $0x0  }
0x24: {  	s3 =	sadd.s32 $0x88, s3;
	s6 =	simm.s32 @!p1 $0x1082;
	[sflag:s4] =	ssyncset.s32 $0xFFFFF086  }
0x25: {  	[simem:s6], [sflag:s4] =	dma.local [hbm:s3], $0xF7A  }
0x26: {  	[smem:$0x3F9F] =	sst s1;
	(tag) =	ssettag s2;
	_ =	strace s9  }
0x27: {  	s1 =	sld [smem:$0x3FAF]  }
0x28: {  	s2 =	sld [smem:$0x3FB0]  }
0x29: {  	s4 =	sld [smem:$0x3FB2]  }
0x2a: {  	p0 =	seq.s32 s5, $0x0;
	s5 =	sld [smem:$0x3FB3]  }
0x2b: {  	s6 =	sld [smem:$0x3FB4]  }
0x2c: {  	s7 =	sld [smem:$0x3FB5]  }
0x2d: {  	s3 =	simm.s32 $0x108;
	s8 =	sld [smem:$0x3FB6]  }
0x2e: {  	s3 =	simm.s32 @!p0 $0x1082;
	s9 =	sld [smem:$0x3FB7]  }
0x2f: {  	lr =	sadd.s32 s0, s3;
	s0 =	sld [smem:$0x3FAE]  }
0x30: {  	s3 =	sld [smem:$0x3FB1]  }
0x31: {  	[smem:$0x3FBA] =	sst s10  }
0x32: {  	s10 =	sld [smem:$0x3FB8];
	_ =	sdelay $0x3  }
0x33: {  	p0 =	seq.s32 s10, $0x1;
	s10 =	sld [smem:$0x3FBA];
	_ =	sdelay $0x3  }
0x34: {  	[smem:$0x3FBA] =	sst s10  }
0x35: {  	s10 =	sld [smem:$0x3FB9];
	_ =	sdelay $0x3  }
0x36: {  	p1 =	seq.s32 s10, $0x1;
	s10 =	sld [smem:$0x3FBA];
	_ =	sdelay $0x3  }
0x37: {  	[smem:$0x3FBA] =	sst s10  }
0x38: {  	s10 =	sld [smem:$0x3FBB]  }
0x39: {  	_ = 	snop;
	(pc) =	sbr.ind lr, $3  }
0x3a: {  	_ = 	snop  }
0x3b: {  	_ = 	snop  }
0x3c: {  	p2 =	seq.s32 s10, $0x1;
	s10 =	sld [smem:$0x3FBA]  }
0x3d: {  	_ =	shalt  }
0x3e: {  	_ =	shalt  }
0x3f: {  	_ =	shalt  }
0x40: {  	_ =	shalt  }
0x41: {  	_ =	shalt  }
0x42: {  	_ =	shalt  }
0x43: {  	_ =	shalt  }
0x44: {  	_ =	shalt  }
0x45: {  	_ =	shalt  }
0x46: {  	_ =	shalt  }
0x47: {  	_ =	shalt  }
0x48: {  	_ =	shalt  }
0x49: {  	_ =	shalt  }
0x4a: {  	_ =	shalt  }
0x4b: {  	_ =	shalt  }
0x4c: {  	_ =	shalt  }
0x4d: {  	_ =	shalt  }
0x4e: {  	_ =	shalt  }
0x4f: {  	_ =	shalt  }
0x50: {  	_ =	shalt  }
0x51: {  	_ =	shalt  }
0x52: {  	_ =	shalt  }
0x53: {  	_ =	shalt  }
0x54: {  	_ =	shalt  }
0x55: {  	_ =	shalt  }
0x56: {  	_ =	shalt  }
0x57: {  	_ =	shalt  }
0x58: {  	_ =	shalt  }
0x59: {  	_ =	shalt  }
0x5a: {  	_ =	shalt  }
0x5b: {  	_ =	shalt  }
0x5c: {  	_ =	shalt  }
0x5d: {  	_ =	shalt  }
0x5e: {  	_ =	shalt  }
0x5f: {  	_ =	shalt  }
0x60: {  	_ =	shalt  }
0x61: {  	_ =	shalt  }
0x62: {  	_ =	shalt  }
0x63: {  	_ =	shalt  }
0x64: {  	_ =	shalt  }
0x65: {  	_ =	shalt  }
0x66: {  	_ =	shalt  }
0x67: {  	_ =	shalt  }
0x68: {  	_ =	shalt  }
0x69: {  	_ =	shalt  }
0x6a: {  	_ =	shalt  }
0x6b: {  	_ =	shalt  }
0x6c: {  	_ =	shalt  }
0x6d: {  	_ =	shalt  }
0x6e: {  	_ =	shalt  }
0x6f: {  	_ =	shalt  }
0x70: {  	_ =	shalt  }
0x71: {  	_ =	shalt  }
0x72: {  	_ =	shalt  }
0x73: {  	_ =	shalt  }
0x74: {  	_ =	shalt  }
0x75: {  	_ =	shalt  }
0x76: {  	_ =	shalt  }
0x77: {  	_ =	shalt  }
0x78: {  	_ =	shalt  }
0x79: {  	_ =	shalt  }
0x7a: {  	_ =	shalt  }
0x7b: {  	_ =	shalt  }
0x7c: {  	_ =	shalt  }
0x7d: {  	_ =	shalt  }
0x7e: {  	_ =	shalt  }
0x7f: {  	_ =	shalt  }
0x80: {  	_ =	shalt  }
0x81: {  	_ =	shalt  }
0x82: {  	_ =	shalt  }
0x83: {  	_ =	shalt  }
0x84: {  	_ =	shalt  }
0x85: {  	_ =	shalt  }
0x86: {  	_ =	shalt  }
0x87: {  	_ =	shalt  }
.Lfunc_end0:
.L_simem_size_0:
called_computation_lowered:
.L_overlay_start_0:
0x88: {  	s2 =	sld [smem:$0x3FD9]  }
0x89: {  	s3 =	sld [smem:$0x3FFE];
	_ =	sdelay $0x1  }
0x8a: {  	s1 =	srdreg.scid  }
0x8b: {  	s0 =	sand.u32 $0x1, s1  }
0x8c: {  	s14 =	sshll.u32 s0, $0xA;
	s2 =	sadd.s32 s3, s2  }
0x8d: {  	s2 =	sadd.s32 s2, s14  }
0x8e: {  	[smem:$0x3FC6] =	sst s2  }
0x8f: {  	_ = 	snop  }
0x90: {  	s2 =	sld [smem:$0x3FD0];
	_ =	sdelay $0x2  }
0x91: {  	s4 =	simm.s32 $0xA;
	s5 =	simm.s32 $0x10;
	s15 =	sld [smem:$0x3FC8]  }
0x92: {  	[smem:s5], [sflag:s4] =	dma.local [hbm:s2], $0x1  }
0x93: {  	_ =	swait.eq [sflag:s4], $0x1  }
0x94: {  	[sflag:s4] =	ssyncset.done $0x0  }
0x95: {  	[sflag:s4] =	ssyncadd.s32 $0xFFFFFFFF  }
0x96: {  	s16 =	sld [smem:$0x10];
	(tm) =	ssettm $0x1  }
0x97: {  	s17 =	sld [smem:$0x3FFB];
	_ =	sdelay $0x3  }
0x98: {  	_ =	strace s17  }
0x99: {  	s4 =	sld [smem:$0x3FFC];
	_ =	sdelay $0x3  }
0x9a: {  	_ =	strace s4  }
0x9b: {  	s4 =	sld [smem:$0x3FFD];
	_ =	sdelay $0x3  }
0x9c: {  	_ =	strace s4  }
0x9d: {  	_ =	strace $0x8FFFFFFF  }
0x9e: {  	s18 =	sld [smem:$0x3FDB];
	_ =	sdelay $0x1  }
0x9f: {  	s19 =	simm.s32 $_scs_section_size  }
0xa0: {  	s6 =	simm.s32 $_size__tile_overlayer_lowered;
	s7 =	simm.s32 $_tile_overlayer_lowered  }
0xa1: {  	s22 =	simm.s32 $0x1BFF;
	s21 =	sshll.u32 s7, $0x1;
	s4 =	sadd.s32 s19, s18  }
0xa2: {  	s8 =	simm.s32 $0x0;
	s20 =	sshll.u32 s6, $0x1;
	s6 =	sadd.s32 s21, s4  }
0xa3: {  	[timem:s8], [sflag:s22] =	dma.local [hbm:s6], s20  }
0xa4: {  	_ =	swait.ge [sflag:s22], s20  }
0xa5: {  	s5 =	ssub.s32 $0x0, s20;
	[sflag:s22] =	ssyncset.done $0x0  }
0xa6: {  	[sflag:s22] =	ssyncadd.s32 s5;
	_ =	sdelay $0x1  }
0xa7: {  	s23 =	simm.s32 $0x1B8B  }
0xa8: {  	_ =	swait.ge [sflag:s23], $0x1  }
0xa9: {  	[sflag:s23] =	ssyncset.done $0x0  }
0xaa: {  	s25 =	simm.s32 $0x1B8E;
	s24 =	sld [smem:$0x3FFE];
	[sflag:s23] =	ssyncadd.s32 $0xFFFFFFFF  }
0xab: {  	s26 =	simm.s32 $execute0_lowered;
	[smem:$0x3FD2] =	sst s25  }
0xac: {  	s6 =	sshll.u32 s26, $0x1;
	_ =	strace $0x80000046;
	[dreg:$0x1] =	wrdreg $0xFFFFFFFF  }
0xad: {  	s28 =	simm.s32 $_size_execute0_lowered;
	s4 =	sadd.s32 s4, s6;
	[dreg:$0x0] =	wrdreg $0x0  }
0xae: {  	s6 =	sshll.u32 s28, $0x1;
	[dreg:$0x2] =	wrdreg s4  }
0xaf: {  	[dreg:$0x3] =	wrdreg s6  }
0xb0: {  	[dreg:$0x4] =	wrdreg $0xC0  }
0xb1: {  	_ =	task [dreg:s8], $0x5FFFF  }
0xb2: {  	[dreg:$0x1] =	wrdreg $0xFFFFFFFF  }
0xb3: {  	[dreg:$0x0] =	wrdreg $0x60  }
0xb4: {  	[dreg:$0x2] =	wrdreg s15  }
0xb5: {  	[dreg:$0x3] =	wrdreg s16  }
0xb6: {  	[dreg:$0x4] =	wrdreg s24  }
0xb7: {  	[dreg:$0x5] =	wrdreg $0x9  }
0xb8: {  	_ =	task.clear_ibuf [dreg:s8], $0x6FFFF;
	_ =	strace $0x90000046  }
0xb9: {  	s29 =	simm.s32 $0x9;
	_ =	strace $0x80000048  }
0xba: {  	_ =	swait.ge [sflag:s29], $0x1  }
0xbb: {  	[sflag:s29] =	ssyncadd.s32 $0xFFFFFFFF  }
0xbc: {  	_ =	strace $0x90000048  }
0xbd: {  	_ =	sfence  }
0xbe: {  	s30 =	sld [smem:$0x0];
	_ =	sdelay $0x2  }
0xbf: {  	s31 =	sshll.u32 s1, $0xD;
	s1 =	sshrl.u32 s1, $0x2  }
0xc0: {  	s3 =	sand.u32 $0x4000, s31;
	s1 =	sadd.s32 s1, s30  }
0xc1: {  	s0 =	sor.u32 s3, s0;
	s1 =	sshll.u32 s1, $0x11  }
0xc2: {  	s0 =	sor.u32 s1, s0  }
0xc3: {  	s0 =	sadd.s32 $0x8F2B, s0  }
0xc4: {  	[sflag:s0] =	ssyncadd.remote.s32 $0x1  }
0xc5: {  	_ =	sfence.sel $0xFFFF  }
0xc6: {  	[dreg:$0x0] =	wrdreg $0xFFFFFFFF;
	(pc) =	sbr.abs _section_cstart, $3  }
0xc7: {  	[dreg:$0x1] =	wrdreg $0xFFFFFFFF  }
0xc8: {  	_ =	task.clear_ibuf [dreg:s8], $0x2FFFF;
	_ =	strace $0x9FFFFFFF  }
0xc9: {  	(tm) =	ssettm $0x7FFFFFFF  }
tec
execute0_lowered:
.L_overlay_start_1:
0x0: {  	(tag) =	ssettag $0x1  }
0x1: {  	s1 =	rddreg [dreg:$0x0]  }
0x2: {  	s4 =	rddreg [dreg:$0x1];
	s2 =	srdreg.scid  }
0x3: {  	s0 =	stileid.u32;
	s5 =	rddreg [dreg:$0x2];
	s10 =	simm.s32 $0x1080  }
0x4: {  	s11 =	simm.s32 $0x1880;
	s12 =	simm.s32 $0x2080;
	s13 =	simm.s32 $0x2880  }
0x5: {  	s14 =	simm.s32 $0x1;
	s6 =	sand.u32 $0x1, s2;
	s3 =	sshll.u32 s0, $0x1  }
0x6: {  	s15 =	simm.s32 $0x2;
	s2 =	rddreg [dreg:$0x3];
	s7 =	sor.u32 s6, s3  }
0x7: {  	s3 =	simm.s32 $0x0;
	s6 =	ssub.s32 $0x2, s6;
	s8 =	smul.u32 $0x600, s7  }
0x8: {  	[smem:$0x7FF] =	sst s3;
	s9 =	sshrl.u32 s6, $0x1;
	s7 =	smul.u32 $0x6, s7  }
0x9: {  	v2 =	vlaneseq.u32;
	_ =	strace $0x80000047;
	s6 =	ssub.s32 s6, s9;
	s9 =	simm.s32 $0x880  }
0xa: {  	vm0 =	vmmov $0xffff;
	v1 =	vshrl.u32 v2, $0x3;
	s5 =	sadd.s32 s8, s5;
	s4 =	sadd.s32 s4, s7;
	s6 =	smax.u32 s6, $0x1  }
0xb: {  	v0 =	vand.u32 $0x7, v2;
	v2 =	vor.u32 $0x8, v2;
	v1 =	vmul.u32 $0x8, v1;
	s7 =	simm.s32 $0x3;
	s8 =	simm.s32 $0x80;
	s5 =	sadd.s32 $0xC00, s5  }
.LBB2_1:
0xc: {  	[tilespmem:s3], [sflag:$0x3] =	stream.linear.gather [hbm4b:s4+s3], $0x30, $0x38;
	[tilespmem:$0x3080] =	vst v63  }
0xd: {  	_ =	swait.ge [sflag:s7], $0x30  }
0xe: {  	[sflag:s7] =	ssyncset.done $0x0  }
0xf: {  	[sflag:s7] =	ssyncadd.s32 $0xFFFFFFD0  }
0x10: {  	v3 =	vld [tilespmem:$0x0];
	_ =	sdelay $0x4  }
0x11: {  	v4 =	vshll.u32 v3, $0x1  }
0x12: {  	v3 =	vand.u32 $0x7, v3;
	v4 =	vand.u32 $0xFFFFFFF0, v4  }
0x13: {  	v3 =	vor.u32 v3, v4  }
0x14: {  	v4 =	vperm.xlane v3, v0;
	_ =	sdelay $0x1  }
0x15: {  	v3 =	vperm.xlane v3, v2;
	v4 =	vadd.s32 v1, v4;
	_ =	sdelay $0x1  }
0x16: {  	v3 =	vadd.s32 v1, v3;
	_ =	sdelay $0x2  }
0x17: {  	[tilespmem:s8], [sflag:$0x1] =	stream.indirect_vreg.gather [hbm4b:s1+s3], $0x80, v4, vm0, $0xb8;
	[tilespmem:$0x3080] =	vst v63  }
0x18: {  	_ = 	snop  }
0x19: {  	[tilespmem:s9], [sflag:$0x1] =	stream.indirect_vreg.gather [hbm4b:s1+s3], $0x80, v3, vm0, $0xb8;
	[tilespmem:$0x3080] =	vst v63  }
0x1a: {  	v3 =	vld [tilespmem:$0x10];
	_ =	sdelay $0x4  }
0x1b: {  	v62 =	vshll.u32 v3, $0x1  }
0x1c: {  	v3 =	vand.u32 $0x7, v3;
	v4 =	vand.u32 $0xFFFFFFF0, v62  }
0x1d: {  	v3 =	vor.u32 v3, v4  }
0x1e: {  	v4 =	vperm.xlane v3, v0;
	_ =	sdelay $0x1  }
0x1f: {  	v3 =	vperm.xlane v3, v2;
	v4 =	vadd.s32 v1, v4;
	_ =	sdelay $0x1  }
0x20: {  	v3 =	vadd.s32 v1, v3;
	_ =	sdelay $0x2  }
0x21: {  	[tilespmem:s10], [sflag:$0x1] =	stream.indirect_vreg.gather [hbm4b:s1+s3], $0x80, v4, vm0, $0xb8;
	[tilespmem:$0x3080] =	vst v63  }
0x22: {  	_ = 	snop  }
0x23: {  	[tilespmem:s11], [sflag:$0x1] =	stream.indirect_vreg.gather [hbm4b:s1+s3], $0x80, v3, vm0, $0xb8;
	[tilespmem:$0x3080] =	vst v63  }
0x24: {  	v3 =	vld [tilespmem:$0x20];
	_ =	sdelay $0x4  }
0x25: {  	v63 =	vshll.u32 v3, $0x1  }
0x26: {  	v3 =	vand.u32 $0x7, v3;
	v4 =	vand.u32 $0xFFFFFFF0, v63  }
0x27: {  	v3 =	vor.u32 v3, v4  }
0x28: {  	v4 =	vperm.xlane v3, v0;
	_ =	sdelay $0x1  }
0x29: {  	v3 =	vperm.xlane v3, v2;
	v4 =	vadd.s32 v1, v4;
	_ =	sdelay $0x1  }
0x2a: {  	v3 =	vadd.s32 v1, v3;
	_ =	sdelay $0x2  }
0x2b: {  	[tilespmem:s12], [sflag:$0x1] =	stream.indirect_vreg.gather [hbm4b:s1+s3], $0x80, v4, vm0, $0xb8;
	[tilespmem:$0x3080] =	vst v63  }
0x2c: {  	_ = 	snop  }
0x2d: {  	[tilespmem:s13], [sflag:$0x1] =	stream.indirect_vreg.gather [hbm4b:s1+s3], $0x80, v3, vm0, $0xb8;
	[tilespmem:$0x3080] =	vst v63  }
0x2e: {  	_ =	swait.ge [sflag:s14], $0x3000  }
0x2f: {  	p0 =	sne.s32 s6, $0x1;
	[sflag:s14] =	ssyncset.done $0x0  }
.Ltmp0:
0x30: {  	[sflag:s14] =	ssyncadd.s32 $0xFFFFD000;
	(pc) =	sbr.rel @p0 .LBB2_1-.Ltmp0, $4  }
0x31: {  	[hbm4b:s5+s3] =	stream.linear.scatter [tilespmem:s8], [sflag:$0x2], $0x3000, $0x38;
	[tilespmem:$0x3080] =	vst v63  }
0x32: {  	_ =	swait.ge [sflag:s15], $0x3000  }
0x33: {  	[sflag:s15] =	ssyncset.done $0x0  }
0x34: {  	s6 =	sadd.s32 $0xFFFFFFFF, s6;
	[sflag:s15] =	ssyncadd.s32 $0xFFFFD000  }
0x35: {  	_ =	sfence.sel $0x180000  }
0x36: {  	[bflag:$0x0] =	sbarrier.arrive $0xFFFF  }
0x37: {  	p0 =	sne.s32 s0, $0x0;
	_ =	strace $0x90000047  }
0x38: {  	s0 =	sadd.s32 @!p0 $0x100000, s2;
	[bflag:$0x2] =	sbarrier.arrive $0xFFFF  }
0x39: {  	[sflag:s0] =	ssyncadd.tile.s32 @!p0 $0x1;
	_ =	shalt  }
.Lfunc_end2:
_tile_overlayer_lowered:
.L_overlay_start_2:
0x3a: {  	(tag) =	ssettag $0x2  }
0x3b: {  	s0 =	rddreg [dreg:$0x0];
	s2 =	stileid.u32  }
0x3c: {  	s1 =	rddreg [dreg:$0x1];
	p0 =	sne.s32 s2, $0x0  }
0x3d: {  	s3 =	rddreg [dreg:$0x2];
	[bflag:$0x3] =	sbarrier.arrive $0xFFFF;
	s2 =	simm.s32 @!p0 $0x1C03  }
0x3e: {  	[timem:s3], [sflag:s2] =	dma.local @!p0 [hbm:s0], s1  }
0x3f: {  	s0 =	simm.s32 @!p0 $0x3  }
0x40: {  	_ =	swait.ge @!p0 [sflag:s0], s1  }
0x41: {  	s1 =	ssub.s32 @!p0 $0x0, s1;
	[sflag:s0] =	ssyncset.done @!p0 $0x0  }
0x42: {  	[sflag:s0] =	ssyncadd.s32 @!p0 s1  }
0x43: {  	[bflag:$0x3] =	sbarrier.arrive $0xFFFF  }
0x44: {  	_ =	shalt  }

</sc_bundles>
